<compile_context>
chip_gen: v7x
topology: tpu7x:2x2x1
jax: 0.10.2.dev20260603
libtpu: 0.0.44.dev20260713+nightly
codegen_flags: <defaults>
</compile_context>

<pallas_src>
import jax
import jax.numpy as jnp
from jax import lax
from jax.experimental import pallas as pl
from jax.experimental.pallas import tpu as pltpu
from jax.experimental.pallas import tpu_sc as plsc

N = 10000
E = 320000
D = 128

NC = 2
NS = 16
NW = NC * NS
EPW = E // NW

DEG_C = 80
DEG_R = EPW // DEG_C

MSG_C = 125
MSG_R = EPW // MSG_C
RPT = N // NS

_mesh = plsc.VectorSubcoreMesh(
    core_axis_name="c", subcore_axis_name="s", num_cores=NC, num_subcores=NS
)


def _deg_body(dst_hbm, degp_hbm, idx_v, deg_v, sem):
    cid = lax.axis_index("c")
    sid = lax.axis_index("s")
    w = cid * NS + sid
    pltpu.async_copy(dst_hbm.at[w], idx_v, sem).wait()

    zero16 = jnp.zeros((16,), jnp.float32)

    def zloop(i, carry):
        deg_v[pl.ds(i * 16, 16)] = zero16
        return carry

    lax.fori_loop(0, N // 16, zloop, 0)

    ones16 = jnp.ones((16,), jnp.float32)

    def eloop(r, carry):
        for g in range(DEG_C // 16):
            idx16 = idx_v[r, pl.ds(g * 16, 16)]
            plsc.addupdate_scatter(deg_v, [idx16], ones16)
        return carry

    lax.fori_loop(0, DEG_R, eloop, 0)
    pltpu.sync_copy(deg_v, degp_hbm.at[pl.ds(w * N, N)])


_deg_kernel = pl.kernel(
    _deg_body,
    out_type=jax.ShapeDtypeStruct((NW * N,), jnp.float32),
    mesh=_mesh,
    compiler_params=pltpu.CompilerParams(needs_layout_passes=False),
    scratch_types=[
        pltpu.VMEM((DEG_R, DEG_C), jnp.int32),
        pltpu.VMEM((N,), jnp.float32),
        pltpu.SemaphoreType.DMA,
    ],
)


ZCH = 16
RPT_A = 624


def _msg_body(hp_hbm, src_hbm, dst_hbm, out_hbm, sidx_v, didx_v, rows_v,
              agg_s, sem):
    cid = lax.axis_index("c")
    sid = lax.axis_index("s")
    w = cid * NS + sid
    pltpu.async_copy(src_hbm.at[w], sidx_v, sem)
    pltpu.async_copy(dst_hbm.at[w], didx_v, sem)

    zero16 = jnp.zeros((16,), jnp.float32)

    def zloop(i, carry):
        r = i // (D // 16)
        c = (i % (D // 16)) * 16
        rows_v[r, pl.ds(c, 16)] = zero16
        return carry

    lax.fori_loop(0, MSG_C * (D // 16), zloop, 0)
    base = sid * RPT_A
    nfull = RPT_A // MSG_C
    rem = RPT_A - nfull * MSG_C
    for k in range(nfull):
        pltpu.sync_copy(rows_v, agg_s.at[pl.ds(base + k * MSG_C, MSG_C)])
    pltpu.sync_copy(
        rows_v.at[pl.ds(0, rem)], agg_s.at[pl.ds(base + nfull * MSG_C, rem)]
    )

    @pl.when(sid == NS - 1)
    def _():
        pltpu.sync_copy(rows_v.at[pl.ds(0, ZCH)], agg_s.at[pl.ds(N - ZCH, ZCH)])

    pltpu.make_async_copy(src_hbm.at[w], sidx_v, sem).wait()
    pltpu.make_async_copy(dst_hbm.at[w], didx_v, sem).wait()
    plsc.subcore_barrier()

    def mloop(k, carry):
        pltpu.async_copy(hp_hbm.at[sidx_v.at[k]], rows_v, sem).wait()
        pltpu.sync_copy(rows_v, agg_s.at[didx_v.at[k]], add=True)
        return carry

    lax.fori_loop(0, MSG_R, mloop, 0)
    plsc.subcore_barrier()
    pltpu.sync_copy(
        agg_s.at[pl.ds(base, RPT_A)],
        out_hbm.at[pl.ds(cid * N + base, RPT_A)],
    )

    @pl.when(sid == NS - 1)
    def _():
        pltpu.sync_copy(
            agg_s.at[pl.ds(N - ZCH, ZCH)],
            out_hbm.at[pl.ds(cid * N + N - ZCH, ZCH)],
        )


_msg_kernel = pl.kernel(
    _msg_body,
    out_type=jax.ShapeDtypeStruct((NC * N, D), jnp.float32),
    mesh=_mesh,
    scratch_types=[
        pltpu.VMEM((MSG_R, MSG_C), jnp.int32),
        pltpu.VMEM((MSG_R, MSG_C), jnp.int32),
        pltpu.VMEM((MSG_C, D), jnp.float32),
        pltpu.VMEM_SHARED((N, D), jnp.float32),
        pltpu.SemaphoreType.DMA,
    ],
)


RB = 1000
GRID = N // RB


def _mm_scale_body(degp_ref, x_ref, w_ref, hp_ref, dinv_ref, dfull_ref):
    @pl.when(pl.program_id(0) == 0)
    def _():
        ones = jnp.ones((NW, D), jnp.float32)
        deg = lax.dot_general(
            degp_ref[...], ones, (((0,), (0,)), ((), ())),
            preferred_element_type=jnp.float32,
        )
        dfull_ref[...] = lax.rsqrt(deg + 1.0)

    dinv = dfull_ref[pl.ds(pl.program_id(0) * RB, RB), :]
    dinv_ref[...] = dinv
    hp_ref[...] = (
        jnp.dot(x_ref[...], w_ref[...], preferred_element_type=jnp.float32,
                precision=lax.Precision.HIGHEST)
        * dinv
    )


_mm_scale = pl.pallas_call(
    _mm_scale_body,
    grid=(GRID,),
    in_specs=[
        pl.BlockSpec((NW, N), lambda i: (0, 0)),
        pl.BlockSpec((RB, D), lambda i: (i, 0)),
        pl.BlockSpec((D, D), lambda i: (0, 0)),
    ],
    out_specs=[
        pl.BlockSpec((RB, D), lambda i: (i, 0)),
        pl.BlockSpec((RB, D), lambda i: (i, 0)),
    ],
    out_shape=[
        jax.ShapeDtypeStruct((N, D), jnp.float32),
        jax.ShapeDtypeStruct((N, D), jnp.float32),
    ],
    scratch_shapes=[pltpu.VMEM((N, D), jnp.float32)],
)


def _comb_body(p_ref, hp_ref, dinv_ref, b_ref, t_ref, s1_ref, s2_ref):
    t = (p_ref[0] + p_ref[1] + hp_ref[...]) * dinv_ref[...] + b_ref[...]
    t_ref[...] = t
    s1 = jnp.sum(t, axis=0, keepdims=True)
    s2 = jnp.sum(t * t, axis=0, keepdims=True)

    @pl.when(pl.program_id(0) == 0)
    def _():
        s1_ref[...] = s1
        s2_ref[...] = s2

    @pl.when(pl.program_id(0) != 0)
    def _():
        s1_ref[...] += s1
        s2_ref[...] += s2


_comb = pl.pallas_call(
    _comb_body,
    grid=(GRID,),
    in_specs=[
        pl.BlockSpec((NC, RB, D), lambda i: (0, i, 0)),
        pl.BlockSpec((RB, D), lambda i: (i, 0)),
        pl.BlockSpec((RB, D), lambda i: (i, 0)),
        pl.BlockSpec((1, D), lambda i: (0, 0)),
    ],
    out_specs=[
        pl.BlockSpec((RB, D), lambda i: (i, 0)),
        pl.BlockSpec((1, D), lambda i: (0, 0)),
        pl.BlockSpec((1, D), lambda i: (0, 0)),
    ],
    out_shape=[
        jax.ShapeDtypeStruct((N, D), jnp.float32),
        jax.ShapeDtypeStruct((1, D), jnp.float32),
        jax.ShapeDtypeStruct((1, D), jnp.float32),
    ],
)


def _bn_prelu(t, s1, s2, g, be, a):
    mean = s1 / N
    var = s2 / N - mean * mean
    inv = lax.rsqrt(var + 1e-5)
    u = g * (t - mean) * inv + be
    return jnp.where(u >= 0, u, a * u)


def _bn_mm_body(t_ref, s1_ref, s2_ref, g_ref, be_ref, a_ref, w_ref, dinv_ref,
                o_ref):
    y = _bn_prelu(t_ref[...], s1_ref[...], s2_ref[...], g_ref[...], be_ref[...],
                  a_ref[...])
    o_ref[...] = (
        jnp.dot(y, w_ref[...], preferred_element_type=jnp.float32,
                precision=lax.Precision.HIGHEST)
        * dinv_ref[...]
    )


_bn_mm = pl.pallas_call(
    _bn_mm_body,
    grid=(GRID,),
    in_specs=[
        pl.BlockSpec((RB, D), lambda i: (i, 0)),
        pl.BlockSpec((1, D), lambda i: (0, 0)),
        pl.BlockSpec((1, D), lambda i: (0, 0)),
        pl.BlockSpec((1, D), lambda i: (0, 0)),
        pl.BlockSpec((1, D), lambda i: (0, 0)),
        pl.BlockSpec((1, D), lambda i: (0, 0)),
        pl.BlockSpec((D, D), lambda i: (0, 0)),
        pl.BlockSpec((RB, D), lambda i: (i, 0)),
    ],
    out_specs=pl.BlockSpec((RB, D), lambda i: (i, 0)),
    out_shape=jax.ShapeDtypeStruct((N, D), jnp.float32),
)


def _bn_out_body(t_ref, s1_ref, s2_ref, g_ref, be_ref, a_ref, o_ref):
    o_ref[...] = _bn_prelu(t_ref[...], s1_ref[...], s2_ref[...], g_ref[...],
                           be_ref[...], a_ref[...])


_bn_out = pl.pallas_call(
    _bn_out_body,
    grid=(GRID,),
    in_specs=[
        pl.BlockSpec((RB, D), lambda i: (i, 0)),
        pl.BlockSpec((1, D), lambda i: (0, 0)),
        pl.BlockSpec((1, D), lambda i: (0, 0)),
        pl.BlockSpec((1, D), lambda i: (0, 0)),
        pl.BlockSpec((1, D), lambda i: (0, 0)),
        pl.BlockSpec((1, D), lambda i: (0, 0)),
    ],
    out_specs=pl.BlockSpec((RB, D), lambda i: (i, 0)),
    out_shape=jax.ShapeDtypeStruct((N, D), jnp.float32),
)


def kernel(x, edge_index, W1, b1, gamma1, beta1, a1, W2, b2, gamma2, beta2, a2):
    src = edge_index[0]
    dst = edge_index[1]
    dst_deg = dst.reshape(NW, DEG_R, DEG_C)
    src_msg = src.reshape(NW, MSG_R, MSG_C)
    dst_msg = dst.reshape(NW, MSG_R, MSG_C)

    degp = _deg_kernel(dst_deg).reshape(NW, N)

    b1r = b1.reshape(1, D)
    g1r = gamma1.reshape(1, D)
    be1r = beta1.reshape(1, D)
    a1r = jnp.broadcast_to(a1.reshape(1, 1), (1, D))
    b2r = b2.reshape(1, D)
    g2r = gamma2.reshape(1, D)
    be2r = beta2.reshape(1, D)
    a2r = jnp.broadcast_to(a2.reshape(1, 1), (1, D))

    hp1, dinv = _mm_scale(degp, x, W1)
    p1 = _msg_kernel(hp1, src_msg, dst_msg).reshape(NC, N, D)
    t1, s1a, s2a = _comb(p1, hp1, dinv, b1r)
    hp2 = _bn_mm(t1, s1a, s2a, g1r, be1r, a1r, W2, dinv)
    p2 = _msg_kernel(hp2, src_msg, dst_msg).reshape(NC, N, D)
    t2, s1b, s2b = _comb(p2, hp2, dinv, b2r)
    return _bn_out(t2, s1b, s2b, g2r, be2r, a2r)

# --- scband reference (transcript-rebuilt; emitter-appended) ---
"""Pipeline reference for scband-gnnblock-84963043049900 (READ-ONLY COPY).

The authoritative reference and input builder live on the scoring server;
editing this copy changes nothing except your own understanding.
"""

import jax, jax.numpy as jnp
import numpy as np

N = 10000
E = 320000
D = 128


def setup_inputs(seed: int = 0) -> dict:
    key = jax.random.key(seed)
    ks = jax.random.split(key, 6)
    inp = {}
    inp["x"] = jax.random.normal(ks[0], (N, D), dtype=jnp.float32)
    inp["edge_index"] = jax.random.randint(ks[1], (2, E), 0, N, dtype=jnp.int32)
    for i in range(2):
        inp[f"W{i+1}"] = jax.random.normal(ks[2 + i], (D, D), dtype=jnp.float32) * (1.0 / np.sqrt(D))
        inp[f"b{i+1}"] = jnp.zeros((D,), dtype=jnp.float32)
        inp[f"gamma{i+1}"] = jnp.ones((D,), dtype=jnp.float32)
        inp[f"beta{i+1}"] = jnp.zeros((D,), dtype=jnp.float32)
        inp[f"a{i+1}"] = jnp.array(0.25, dtype=jnp.float32)
    return inp


def gcn_conv(x, edge_index, W, b):
    # GCNConv with symmetric normalization and self-loops (PyG semantics)
    n = x.shape[0]
    loop = jnp.arange(n, dtype=edge_index.dtype)
    src = jnp.concatenate([edge_index[0], loop])
    dst = jnp.concatenate([edge_index[1], loop])
    deg = jnp.zeros((n,), dtype=x.dtype).at[dst].add(1.0)
    dinv = jnp.where(deg > 0, deg ** -0.5, 0.0)
    norm = dinv[src] * dinv[dst]
    h = x @ W
    msg = h[src] * norm[:, None]
    out = jnp.zeros((n, h.shape[1]), dtype=x.dtype).at[dst].add(msg)
    return out + b


def batch_norm(x, gamma, beta, eps=1e-5):
    # BatchNorm1d over nodes, training-mode batch statistics
    mean = jnp.mean(x, axis=0)
    var = jnp.mean((x - mean) ** 2, axis=0)
    return gamma * (x - mean) / jnp.sqrt(var + eps) + beta


def prelu(x, a):
    return jnp.where(x >= 0, x, a * x)


def reference(x, edge_index, W1, b1, gamma1, beta1, a1, W2, b2, gamma2, beta2, a2):
    h = gcn_conv(x, edge_index, W1, b1)
    h = batch_norm(h, gamma1, beta1)
    h = prelu(h, a1)
    h = gcn_conv(h, edge_index, W2, b2)
    h = batch_norm(h, gamma2, beta2)
    h = prelu(h, a2)
    return h

if __name__ == "__main__":
    import jax
    _d = setup_inputs()
    print(jax.jit(kernel)(*tuple(_d.values())))

</pallas_src>

<mosaic_0001>
#map = affine_map<(d0, d1) -> (0, 0)>
#map1 = affine_map<(d0, d1) -> (0, 0, 0)>
module attributes {stable_mosaic.version = 14 : i64} {
  func.func @_msg_body(%arg0: i32, %arg1: i32, %arg2: memref<10000x128xf32, #tpu.memory_space<hbm>>, %arg3: memref<32x80x125xi32, #tpu.memory_space<hbm>>, %arg4: memref<32x80x125xi32, #tpu.memory_space<hbm>>, %arg5: memref<20000x128xf32, #tpu.memory_space<hbm>>, %arg6: memref<80x125xi32, #tpu.memory_space<vmem>>, %arg7: memref<80x125xi32, #tpu.memory_space<vmem>>, %arg8: memref<125x128xf32, #tpu.memory_space<vmem>>, %arg9: memref<10000x128xf32, #tpu.memory_space<vmem_shared>>, %arg10: memref<!tpu.dma_semaphore, #tpu.memory_space<semaphore_mem>>) attributes {dimension_semantics = [#tpu.dimension_semantics<core_parallel>, #tpu.dimension_semantics<subcore_parallel>], iteration_bounds = array<i64: 2, 16>, scalar_prefetch = 0 : i64, scratch_operands = 5 : i64, tpu.core_type = #tpu.core_type<sc_vector_subcore>, window_params = [{transform_indices = #map}, {transform_indices = #map1}, {transform_indices = #map1}, {transform_indices = #map}]} {
    %mul3A = arith.constant 16 : i32
    %mul3A_0 = arith.muli %arg0, %mul3A : i32
    %add3A = arith.addi %mul3A_0, %arg1 : i32
    %dma_start3A = arith.constant 0 : i32
    %dma_start3A_1 = arith.constant 0 : i32
    %dma_start3A_2 = tpu.memref_slice %arg3[%add3A, %dma_start3A, %dma_start3A_1] : memref<32x80x125xi32, #tpu.memory_space<hbm>> -> memref<1x80x125xi32, #tpu.memory_space<hbm>>
    %dma_start3A_3 = tpu.memref_squeeze %dma_start3A_2 : memref<1x80x125xi32, #tpu.memory_space<hbm>> -> memref<80x125xi32, #tpu.memory_space<hbm>>
    %dma_start3A_4 = arith.constant 0 : i32
    %dma_start3A_5 = arith.constant 0 : i32
    %dma_start3A_6 = tpu.memref_slice %arg3[%add3A, %dma_start3A_4, %dma_start3A_5] : memref<32x80x125xi32, #tpu.memory_space<hbm>> -> memref<1x80x125xi32, #tpu.memory_space<hbm>>
    %dma_start3A_7 = tpu.memref_squeeze %dma_start3A_6 : memref<1x80x125xi32, #tpu.memory_space<hbm>> -> memref<80x125xi32, #tpu.memory_space<hbm>>
    tpu.enqueue_dma source(%dma_start3A_7 : memref<80x125xi32, #tpu.memory_space<hbm>>) target(%arg6 : memref<80x125xi32, #tpu.memory_space<vmem>>) target_semaphore(%arg10 : memref<!tpu.dma_semaphore, #tpu.memory_space<semaphore_mem>>)
    %dma_start3A_8 = arith.constant 0 : i32
    %dma_start3A_9 = arith.constant 0 : i32
    %dma_start3A_10 = tpu.memref_slice %arg4[%add3A, %dma_start3A_8, %dma_start3A_9] : memref<32x80x125xi32, #tpu.memory_space<hbm>> -> memref<1x80x125xi32, #tpu.memory_space<hbm>>
    %dma_start3A_11 = tpu.memref_squeeze %dma_start3A_10 : memref<1x80x125xi32, #tpu.memory_space<hbm>> -> memref<80x125xi32, #tpu.memory_space<hbm>>
    %dma_start3A_12 = arith.constant 0 : i32
    %dma_start3A_13 = arith.constant 0 : i32
    %dma_start3A_14 = tpu.memref_slice %arg4[%add3A, %dma_start3A_12, %dma_start3A_13] : memref<32x80x125xi32, #tpu.memory_space<hbm>> -> memref<1x80x125xi32, #tpu.memory_space<hbm>>
    %dma_start3A_15 = tpu.memref_squeeze %dma_start3A_14 : memref<1x80x125xi32, #tpu.memory_space<hbm>> -> memref<80x125xi32, #tpu.memory_space<hbm>>
    tpu.enqueue_dma source(%dma_start3A_15 : memref<80x125xi32, #tpu.memory_space<hbm>>) target(%arg7 : memref<80x125xi32, #tpu.memory_space<vmem>>) target_semaphore(%arg10 : memref<!tpu.dma_semaphore, #tpu.memory_space<semaphore_mem>>)
    %broadcast_in_dim3A = arith.constant 0.000000e+00 : f32
    %broadcast_in_dim3A_16 = vector.broadcast %broadcast_in_dim3A : f32 to vector<16xf32>
    %scan3A = arith.constant 0 : i32
    %scan3A_17 = arith.constant 0 : i32
    %scan3A_18 = arith.constant 1000 : i32
    %scan3A_19 = arith.addi %scan3A_17, %scan3A_18 : i32
    %scan3A_20 = arith.constant 1 : i32
    scf.for %scan3A_66 = %scan3A_17 to %scan3A_19 step %scan3A_20  : i32 {
      %jit3A = arith.constant 8 : i32
      %div3A = arith.divsi %scan3A_66, %jit3A : i32
      %sign3A = arith.constant 0 : i32
      %sign3A_67 = arith.cmpi sgt, %scan3A_66, %sign3A : i32
      %sign3A_68 = arith.extui %sign3A_67 : i1 to i32
      %sign3A_69 = arith.constant 0 : i32
      %sign3A_70 = arith.cmpi slt, %scan3A_66, %sign3A_69 : i32
      %sign3A_71 = arith.extui %sign3A_70 : i1 to i32
      %sign3A_72 = arith.subi %sign3A_68, %sign3A_71 : i32
      %sign3A_73 = arith.constant 0 : i32
      %sign3A_74 = arith.cmpi sgt, %jit3A, %sign3A_73 : i32
      %sign3A_75 = arith.extui %sign3A_74 : i1 to i32
      %sign3A_76 = arith.constant 0 : i32
      %sign3A_77 = arith.cmpi slt, %jit3A, %sign3A_76 : i32
      %sign3A_78 = arith.extui %sign3A_77 : i1 to i32
      %sign3A_79 = arith.subi %sign3A_75, %sign3A_78 : i32
      %ne3A = arith.cmpi ne, %sign3A_72, %sign3A_79 : i32
      %rem3A = arith.remsi %scan3A_66, %jit3A : i32
      %ne3A_80 = arith.constant 0 : i32
      %ne3A_81 = arith.cmpi ne, %rem3A, %ne3A_80 : i32
      %and3A = arith.andi %ne3A, %ne3A_81 : i1
      %sub3A = arith.constant 1 : i32
      %sub3A_82 = arith.subi %div3A, %sub3A : i32
      %select_n3A = arith.select %and3A, %sub3A_82, %div3A : i32
      %jit3A_83 = arith.constant 8 : i32
      %eq3A_84 = arith.constant 0 : i32
      %eq3A_85 = arith.cmpi eq, %jit3A_83, %eq3A_84 : i32
      %jit3A_86 = arith.constant 1 : i32
      %select_n3A_87 = arith.select %eq3A_85, %jit3A_86, %jit3A_83 : i32
      %rem3A_88 = arith.remsi %scan3A_66, %select_n3A_87 : i32
      %ne3A_89 = arith.constant 0 : i32
      %ne3A_90 = arith.cmpi ne, %rem3A_88, %ne3A_89 : i32
      %lt3A = arith.constant 0 : i32
      %lt3A_91 = arith.cmpi slt, %rem3A_88, %lt3A : i32
      %lt3A_92 = arith.constant 0 : i32
      %lt3A_93 = arith.cmpi slt, %select_n3A_87, %lt3A_92 : i32
      %ne3A_94 = arith.xori %lt3A_91, %lt3A_93 : i1
      %and3A_95 = arith.andi %ne3A_94, %ne3A_90 : i1
      %add3A_96 = arith.addi %rem3A_88, %select_n3A_87 : i32
      %select_n3A_97 = arith.select %and3A_95, %add3A_96, %rem3A_88 : i32
      %mul3A_98 = arith.constant 16 : i32
      %mul3A_99 = arith.muli %select_n3A_97, %mul3A_98 : i32
      %swap3A = arith.index_cast %select_n3A : i32 to index
      %swap3A_100 = arith.index_cast %mul3A_99 : i32 to index
      %swap3A_101 = tpu.vector_load %arg8[%swap3A, %swap3A_100] {strides = array<i32>} : memref<125x128xf32, #tpu.memory_space<vmem>>, vector<1x16xf32>,
      %swap3A_102 = vector.shape_cast %swap3A_101 : vector<1x16xf32> to vector<16xf32>
      %swap3A_103 = vector.shape_cast %broadcast_in_dim3A_16 : vector<16xf32> to vector<1x16xf32>
      tpu.vector_store %arg8[%swap3A, %swap3A_100], %swap3A_103 {strides = array<i32>} : memref<125x128xf32, #tpu.memory_space<vmem>>, vector<1x16xf32>,
    }
    %scan3A_21 = arith.constant 1000 : i32
    %mul3A_22 = arith.constant 624 : i32
    %mul3A_23 = arith.muli %arg1, %mul3A_22 : i32
    %add3A_24 = arith.constant 0 : i32
    %add3A_25 = arith.addi %mul3A_23, %add3A_24 : i32
    "tpu.region"() ({
      %run_scoped3A = tpu.sem_alloc : memref<!tpu.dma_semaphore, #tpu.memory_space<semaphore_mem>>
      %dma_start3A_66 = arith.constant 0 : i32
      %dma_start3A_67 = tpu.memref_slice %arg9[%add3A_25, %dma_start3A_66] : memref<10000x128xf32, #tpu.memory_space<vmem_shared>> -> memref<125x128xf32, #tpu.memory_space<vmem_shared>>
      %dma_start3A_68 = arith.constant 0 : i32
      %dma_start3A_69 = tpu.memref_slice %arg9[%add3A_25, %dma_start3A_68] : memref<10000x128xf32, #tpu.memory_space<vmem_shared>> -> memref<125x128xf32, #tpu.memory_space<vmem_shared>>
      tpu.enqueue_dma source(%arg8 : memref<125x128xf32, #tpu.memory_space<vmem>>) target(%dma_start3A_69 : memref<125x128xf32, #tpu.memory_space<vmem_shared>>) target_semaphore(%run_scoped3A : memref<!tpu.dma_semaphore, #tpu.memory_space<semaphore_mem>>)
      %dma_wait3A_70 = arith.constant 0 : i32
      %dma_wait3A_71 = tpu.memref_slice %arg9[%add3A_25, %dma_wait3A_70] : memref<10000x128xf32, #tpu.memory_space<vmem_shared>> -> memref<125x128xf32, #tpu.memory_space<vmem_shared>>
      %dma_wait3A_72 = arith.constant 0 : i32
      %dma_wait3A_73 = tpu.memref_slice %arg9[%add3A_25, %dma_wait3A_72] : memref<10000x128xf32, #tpu.memory_space<vmem_shared>> -> memref<125x128xf32, #tpu.memory_space<vmem_shared>>
      tpu.wait_dma2 semaphore(%run_scoped3A : memref<!tpu.dma_semaphore, #tpu.memory_space<semaphore_mem>>) src(%arg8 : memref<125x128xf32, #tpu.memory_space<vmem>>) dst(%dma_wait3A_73 : memref<125x128xf32, #tpu.memory_space<vmem_shared>>)
      tpu.yield
    }) : () -> ()
    %add3A_26 = arith.constant 125 : i32
    %add3A_27 = arith.addi %mul3A_23, %add3A_26 : i32
    "tpu.region"() ({
      %run_scoped3A = tpu.sem_alloc : memref<!tpu.dma_semaphore, #tpu.memory_space<semaphore_mem>>
      %dma_start3A_66 = arith.constant 0 : i32
      %dma_start3A_67 = tpu.memref_slice %arg9[%add3A_27, %dma_start3A_66] : memref<10000x128xf32, #tpu.memory_space<vmem_shared>> -> memref<125x128xf32, #tpu.memory_space<vmem_shared>>
      %dma_start3A_68 = arith.constant 0 : i32
      %dma_start3A_69 = tpu.memref_slice %arg9[%add3A_27, %dma_start3A_68] : memref<10000x128xf32, #tpu.memory_space<vmem_shared>> -> memref<125x128xf32, #tpu.memory_space<vmem_shared>>
      tpu.enqueue_dma source(%arg8 : memref<125x128xf32, #tpu.memory_space<vmem>>) target(%dma_start3A_69 : memref<125x128xf32, #tpu.memory_space<vmem_shared>>) target_semaphore(%run_scoped3A : memref<!tpu.dma_semaphore, #tpu.memory_space<semaphore_mem>>)
      %dma_wait3A_70 = arith.constant 0 : i32
      %dma_wait3A_71 = tpu.memref_slice %arg9[%add3A_27, %dma_wait3A_70] : memref<10000x128xf32, #tpu.memory_space<vmem_shared>> -> memref<125x128xf32, #tpu.memory_space<vmem_shared>>
      %dma_wait3A_72 = arith.constant 0 : i32
      %dma_wait3A_73 = tpu.memref_slice %arg9[%add3A_27, %dma_wait3A_72] : memref<10000x128xf32, #tpu.memory_space<vmem_shared>> -> memref<125x128xf32, #tpu.memory_space<vmem_shared>>
      tpu.wait_dma2 semaphore(%run_scoped3A : memref<!tpu.dma_semaphore, #tpu.memory_space<semaphore_mem>>) src(%arg8 : memref<125x128xf32, #tpu.memory_space<vmem>>) dst(%dma_wait3A_73 : memref<125x128xf32, #tpu.memory_space<vmem_shared>>)
      tpu.yield
    }) : () -> ()
    %add3A_28 = arith.constant 250 : i32
    %add3A_29 = arith.addi %mul3A_23, %add3A_28 : i32
    "tpu.region"() ({
      %run_scoped3A = tpu.sem_alloc : memref<!tpu.dma_semaphore, #tpu.memory_space<semaphore_mem>>
      %dma_start3A_66 = arith.constant 0 : i32
      %dma_start3A_67 = tpu.memref_slice %arg9[%add3A_29, %dma_start3A_66] : memref<10000x128xf32, #tpu.memory_space<vmem_shared>> -> memref<125x128xf32, #tpu.memory_space<vmem_shared>>
      %dma_start3A_68 = arith.constant 0 : i32
      %dma_start3A_69 = tpu.memref_slice %arg9[%add3A_29, %dma_start3A_68] : memref<10000x128xf32, #tpu.memory_space<vmem_shared>> -> memref<125x128xf32, #tpu.memory_space<vmem_shared>>
      tpu.enqueue_dma source(%arg8 : memref<125x128xf32, #tpu.memory_space<vmem>>) target(%dma_start3A_69 : memref<125x128xf32, #tpu.memory_space<vmem_shared>>) target_semaphore(%run_scoped3A : memref<!tpu.dma_semaphore, #tpu.memory_space<semaphore_mem>>)
      %dma_wait3A_70 = arith.constant 0 : i32
      %dma_wait3A_71 = tpu.memref_slice %arg9[%add3A_29, %dma_wait3A_70] : memref<10000x128xf32, #tpu.memory_space<vmem_shared>> -> memref<125x128xf32, #tpu.memory_space<vmem_shared>>
      %dma_wait3A_72 = arith.constant 0 : i32
      %dma_wait3A_73 = tpu.memref_slice %arg9[%add3A_29, %dma_wait3A_72] : memref<10000x128xf32, #tpu.memory_space<vmem_shared>> -> memref<125x128xf32, #tpu.memory_space<vmem_shared>>
      tpu.wait_dma2 semaphore(%run_scoped3A : memref<!tpu.dma_semaphore, #tpu.memory_space<semaphore_mem>>) src(%arg8 : memref<125x128xf32, #tpu.memory_space<vmem>>) dst(%dma_wait3A_73 : memref<125x128xf32, #tpu.memory_space<vmem_shared>>)
      tpu.yield
    }) : () -> ()
    %add3A_30 = arith.constant 375 : i32
    %add3A_31 = arith.addi %mul3A_23, %add3A_30 : i32
    "tpu.region"() ({
      %run_scoped3A = tpu.sem_alloc : memref<!tpu.dma_semaphore, #tpu.memory_space<semaphore_mem>>
      %dma_start3A_66 = arith.constant 0 : i32
      %dma_start3A_67 = tpu.memref_slice %arg9[%add3A_31, %dma_start3A_66] : memref<10000x128xf32, #tpu.memory_space<vmem_shared>> -> memref<125x128xf32, #tpu.memory_space<vmem_shared>>
      %dma_start3A_68 = arith.constant 0 : i32
      %dma_start3A_69 = tpu.memref_slice %arg9[%add3A_31, %dma_start3A_68] : memref<10000x128xf32, #tpu.memory_space<vmem_shared>> -> memref<125x128xf32, #tpu.memory_space<vmem_shared>>
      tpu.enqueue_dma source(%arg8 : memref<125x128xf32, #tpu.memory_space<vmem>>) target(%dma_start3A_69 : memref<125x128xf32, #tpu.memory_space<vmem_shared>>) target_semaphore(%run_scoped3A : memref<!tpu.dma_semaphore, #tpu.memory_space<semaphore_mem>>)
      %dma_wait3A_70 = arith.constant 0 : i32
      %dma_wait3A_71 = tpu.memref_slice %arg9[%add3A_31, %dma_wait3A_70] : memref<10000x128xf32, #tpu.memory_space<vmem_shared>> -> memref<125x128xf32, #tpu.memory_space<vmem_shared>>
      %dma_wait3A_72 = arith.constant 0 : i32
      %dma_wait3A_73 = tpu.memref_slice %arg9[%add3A_31, %dma_wait3A_72] : memref<10000x128xf32, #tpu.memory_space<vmem_shared>> -> memref<125x128xf32, #tpu.memory_space<vmem_shared>>
      tpu.wait_dma2 semaphore(%run_scoped3A : memref<!tpu.dma_semaphore, #tpu.memory_space<semaphore_mem>>) src(%arg8 : memref<125x128xf32, #tpu.memory_space<vmem>>) dst(%dma_wait3A_73 : memref<125x128xf32, #tpu.memory_space<vmem_shared>>)
      tpu.yield
    }) : () -> ()
    %add3A_32 = arith.constant 500 : i32
    %add3A_33 = arith.addi %mul3A_23, %add3A_32 : i32
    "tpu.region"() ({
      %run_scoped3A = tpu.sem_alloc : memref<!tpu.dma_semaphore, #tpu.memory_space<semaphore_mem>>
      %dma_start3A_66 = arith.constant 0 : i32
      %dma_start3A_67 = arith.constant 0 : i32
      %dma_start3A_68 = tpu.memref_slice %arg8[%dma_start3A_66, %dma_start3A_67] : memref<125x128xf32, #tpu.memory_space<vmem>> -> memref<124x128xf32, #tpu.memory_space<vmem>>
      %dma_start3A_69 = arith.constant 0 : i32
      %dma_start3A_70 = tpu.memref_slice %arg9[%add3A_33, %dma_start3A_69] : memref<10000x128xf32, #tpu.memory_space<vmem_shared>> -> memref<124x128xf32, #tpu.memory_space<vmem_shared>>
      %dma_start3A_71 = arith.constant 0 : i32
      %dma_start3A_72 = tpu.memref_slice %arg9[%add3A_33, %dma_start3A_71] : memref<10000x128xf32, #tpu.memory_space<vmem_shared>> -> memref<124x128xf32, #tpu.memory_space<vmem_shared>>
      %dma_start3A_73 = arith.constant 0 : i32
      %dma_start3A_74 = arith.constant 0 : i32
      %dma_start3A_75 = tpu.memref_slice %arg8[%dma_start3A_73, %dma_start3A_74] : memref<125x128xf32, #tpu.memory_space<vmem>> -> memref<124x128xf32, #tpu.memory_space<vmem>>
      tpu.enqueue_dma source(%dma_start3A_75 : memref<124x128xf32, #tpu.memory_space<vmem>>) target(%dma_start3A_72 : memref<124x128xf32, #tpu.memory_space<vmem_shared>>) target_semaphore(%run_scoped3A : memref<!tpu.dma_semaphore, #tpu.memory_space<semaphore_mem>>)
      %dma_wait3A_76 = arith.constant 0 : i32
      %dma_wait3A_77 = arith.constant 0 : i32
      %dma_wait3A_78 = tpu.memref_slice %arg8[%dma_wait3A_76, %dma_wait3A_77] : memref<125x128xf32, #tpu.memory_space<vmem>> -> memref<124x128xf32, #tpu.memory_space<vmem>>
      %dma_wait3A_79 = arith.constant 0 : i32
      %dma_wait3A_80 = tpu.memref_slice %arg9[%add3A_33, %dma_wait3A_79] : memref<10000x128xf32, #tpu.memory_space<vmem_shared>> -> memref<124x128xf32, #tpu.memory_space<vmem_shared>>
      %dma_wait3A_81 = arith.constant 0 : i32
      %dma_wait3A_82 = tpu.memref_slice %arg9[%add3A_33, %dma_wait3A_81] : memref<10000x128xf32, #tpu.memory_space<vmem_shared>> -> memref<124x128xf32, #tpu.memory_space<vmem_shared>>
      %dma_wait3A_83 = arith.constant 0 : i32
      %dma_wait3A_84 = arith.constant 0 : i32
      %dma_wait3A_85 = tpu.memref_slice %arg8[%dma_wait3A_83, %dma_wait3A_84] : memref<125x128xf32, #tpu.memory_space<vmem>> -> memref<124x128xf32, #tpu.memory_space<vmem>>
      tpu.wait_dma2 semaphore(%run_scoped3A : memref<!tpu.dma_semaphore, #tpu.memory_space<semaphore_mem>>) src(%dma_wait3A_85 : memref<124x128xf32, #tpu.memory_space<vmem>>) dst(%dma_wait3A_82 : memref<124x128xf32, #tpu.memory_space<vmem_shared>>)
      tpu.yield
    }) : () -> ()
    %eq3A = arith.constant 15 : i32
    %eq3A_34 = arith.cmpi eq, %arg1, %eq3A : i32
    %convert_element_type3A = arith.extui %eq3A_34 : i1 to i32
    %cond3A = arith.constant 0 : i32
    %cond3A_35 = arith.cmpi ne, %convert_element_type3A, %cond3A : i32
    scf.if %cond3A_35 {
      "tpu.region"() ({
        %run_scoped3A = tpu.sem_alloc : memref<!tpu.dma_semaphore, #tpu.memory_space<semaphore_mem>>
        %dma_start3A_66 = arith.constant 0 : i32
        %dma_start3A_67 = arith.constant 0 : i32
        %dma_start3A_68 = tpu.memref_slice %arg8[%dma_start3A_66, %dma_start3A_67] : memref<125x128xf32, #tpu.memory_space<vmem>> -> memref<16x128xf32, #tpu.memory_space<vmem>>
        %dma_start3A_69 = arith.constant 9984 : i32
        %dma_start3A_70 = arith.constant 0 : i32
        %dma_start3A_71 = tpu.memref_slice %arg9[%dma_start3A_69, %dma_start3A_70] : memref<10000x128xf32, #tpu.memory_space<vmem_shared>> -> memref<16x128xf32, #tpu.memory_space<vmem_shared>>
        %dma_start3A_72 = arith.constant 9984 : i32
        %dma_start3A_73 = arith.constant 0 : i32
        %dma_start3A_74 = tpu.memref_slice %arg9[%dma_start3A_72, %dma_start3A_73] : memref<10000x128xf32, #tpu.memory_space<vmem_shared>> -> memref<16x128xf32, #tpu.memory_space<vmem_shared>>
        %dma_start3A_75 = arith.constant 0 : i32
        %dma_start3A_76 = arith.constant 0 : i32
        %dma_start3A_77 = tpu.memref_slice %arg8[%dma_start3A_75, %dma_start3A_76] : memref<125x128xf32, #tpu.memory_space<vmem>> -> memref<16x128xf32, #tpu.memory_space<vmem>>
        tpu.enqueue_dma source(%dma_start3A_77 : memref<16x128xf32, #tpu.memory_space<vmem>>) target(%dma_start3A_74 : memref<16x128xf32, #tpu.memory_space<vmem_shared>>) target_semaphore(%run_scoped3A : memref<!tpu.dma_semaphore, #tpu.memory_space<semaphore_mem>>)
        %dma_wait3A_78 = arith.constant 0 : i32
        %dma_wait3A_79 = arith.constant 0 : i32
        %dma_wait3A_80 = tpu.memref_slice %arg8[%dma_wait3A_78, %dma_wait3A_79] : memref<125x128xf32, #tpu.memory_space<vmem>> -> memref<16x128xf32, #tpu.memory_space<vmem>>
        %dma_wait3A_81 = arith.constant 9984 : i32
        %dma_wait3A_82 = arith.constant 0 : i32
        %dma_wait3A_83 = tpu.memref_slice %arg9[%dma_wait3A_81, %dma_wait3A_82] : memref<10000x128xf32, #tpu.memory_space<vmem_shared>> -> memref<16x128xf32, #tpu.memory_space<vmem_shared>>
        %dma_wait3A_84 = arith.constant 9984 : i32
        %dma_wait3A_85 = arith.constant 0 : i32
        %dma_wait3A_86 = tpu.memref_slice %arg9[%dma_wait3A_84, %dma_wait3A_85] : memref<10000x128xf32, #tpu.memory_space<vmem_shared>> -> memref<16x128xf32, #tpu.memory_space<vmem_shared>>
        %dma_wait3A_87 = arith.constant 0 : i32
        %dma_wait3A_88 = arith.constant 0 : i32
        %dma_wait3A_89 = tpu.memref_slice %arg8[%dma_wait3A_87, %dma_wait3A_88] : memref<125x128xf32, #tpu.memory_space<vmem>> -> memref<16x128xf32, #tpu.memory_space<vmem>>
        tpu.wait_dma2 semaphore(%run_scoped3A : memref<!tpu.dma_semaphore, #tpu.memory_space<semaphore_mem>>) src(%dma_wait3A_89 : memref<16x128xf32, #tpu.memory_space<vmem>>) dst(%dma_wait3A_86 : memref<16x128xf32, #tpu.memory_space<vmem_shared>>)
        tpu.yield
      }) : () -> ()
    } else {
    }
    %dma_wait3A = arith.constant 0 : i32
    %dma_wait3A_36 = arith.constant 0 : i32
    %dma_wait3A_37 = tpu.memref_slice %arg3[%add3A, %dma_wait3A, %dma_wait3A_36] : memref<32x80x125xi32, #tpu.memory_space<hbm>> -> memref<1x80x125xi32, #tpu.memory_space<hbm>>
    %dma_wait3A_38 = tpu.memref_squeeze %dma_wait3A_37 : memref<1x80x125xi32, #tpu.memory_space<hbm>> -> memref<80x125xi32, #tpu.memory_space<hbm>>
    %dma_wait3A_39 = arith.constant 0 : i32
    %dma_wait3A_40 = arith.constant 0 : i32
    %dma_wait3A_41 = tpu.memref_slice %arg3[%add3A, %dma_wait3A_39, %dma_wait3A_40] : memref<32x80x125xi32, #tpu.memory_space<hbm>> -> memref<1x80x125xi32, #tpu.memory_space<hbm>>
    %dma_wait3A_42 = tpu.memref_squeeze %dma_wait3A_41 : memref<1x80x125xi32, #tpu.memory_space<hbm>> -> memref<80x125xi32, #tpu.memory_space<hbm>>
    tpu.wait_dma2 semaphore(%arg10 : memref<!tpu.dma_semaphore, #tpu.memory_space<semaphore_mem>>) src(%dma_wait3A_42 : memref<80x125xi32, #tpu.memory_space<hbm>>) dst(%arg6 : memref<80x125xi32, #tpu.memory_space<vmem>>)
    %dma_wait3A_43 = arith.constant 0 : i32
    %dma_wait3A_44 = arith.constant 0 : i32
    %dma_wait3A_45 = tpu.memref_slice %arg4[%add3A, %dma_wait3A_43, %dma_wait3A_44] : memref<32x80x125xi32, #tpu.memory_space<hbm>> -> memref<1x80x125xi32, #tpu.memory_space<hbm>>
    %dma_wait3A_46 = tpu.memref_squeeze %dma_wait3A_45 : memref<1x80x125xi32, #tpu.memory_space<hbm>> -> memref<80x125xi32, #tpu.memory_space<hbm>>
    %dma_wait3A_47 = arith.constant 0 : i32
    %dma_wait3A_48 = arith.constant 0 : i32
    %dma_wait3A_49 = tpu.memref_slice %arg4[%add3A, %dma_wait3A_47, %dma_wait3A_48] : memref<32x80x125xi32, #tpu.memory_space<hbm>> -> memref<1x80x125xi32, #tpu.memory_space<hbm>>
    %dma_wait3A_50 = tpu.memref_squeeze %dma_wait3A_49 : memref<1x80x125xi32, #tpu.memory_space<hbm>> -> memref<80x125xi32, #tpu.memory_space<hbm>>
    tpu.wait_dma2 semaphore(%arg10 : memref<!tpu.dma_semaphore, #tpu.memory_space<semaphore_mem>>) src(%dma_wait3A_50 : memref<80x125xi32, #tpu.memory_space<hbm>>) dst(%arg7 : memref<80x125xi32, #tpu.memory_space<vmem>>)
    %barrier3A = arith.constant 0 : index
    tpu.barrier barrier_id(%barrier3A)
    %scan3A_51 = arith.constant 0 : i32
    %scan3A_52 = arith.constant 0 : i32
    %scan3A_53 = arith.constant 80 : i32
    %scan3A_54 = arith.addi %scan3A_52, %scan3A_53 : i32
    %scan3A_55 = arith.constant 1 : i32
    scf.for %scan3A_66 = %scan3A_52 to %scan3A_54 step %scan3A_55  : i32 {
      %dma_start3A_67 = arith.constant 0 : i32
      %dma_start3A_68 = tpu.memref_slice %arg6[%scan3A_66, %dma_start3A_67] : memref<80x125xi32, #tpu.memory_space<vmem>> -> memref<1x125xi32, #tpu.memory_space<vmem>>
      %dma_start3A_69 = tpu.memref_squeeze %dma_start3A_68 : memref<1x125xi32, #tpu.memory_space<vmem>> -> memref<125xi32, #tpu.memory_space<vmem>>
      %dma_start3A_70 = arith.constant 0 : i32
      %dma_start3A_71 = arith.constant 0 : i32
      %dma_start3A_72 = tpu.memref_slice %arg2[%dma_start3A_70, %dma_start3A_71] : memref<10000x128xf32, #tpu.memory_space<hbm>> -> memref<10000x128xf32, #tpu.memory_space<hbm>>
      tpu.enqueue_indirect_dma source(%dma_start3A_72 : memref<10000x128xf32, #tpu.memory_space<hbm>>) target(%arg8 : memref<125x128xf32, #tpu.memory_space<vmem>>) offsets(%dma_start3A_69 : memref<125xi32, #tpu.memory_space<vmem>>) semaphore(%arg10 : memref<!tpu.dma_semaphore, #tpu.memory_space<semaphore_mem>>)
      %dma_wait3A_73 = arith.constant 0 : i32
      %dma_wait3A_74 = tpu.memref_slice %arg6[%scan3A_66, %dma_wait3A_73] : memref<80x125xi32, #tpu.memory_space<vmem>> -> memref<1x125xi32, #tpu.memory_space<vmem>>
      %dma_wait3A_75 = tpu.memref_squeeze %dma_wait3A_74 : memref<1x125xi32, #tpu.memory_space<vmem>> -> memref<125xi32, #tpu.memory_space<vmem>>
      %dma_wait3A_76 = arith.constant 0 : i32
      %dma_wait3A_77 = arith.constant 0 : i32
      %dma_wait3A_78 = tpu.memref_slice %arg2[%dma_wait3A_76, %dma_wait3A_77] : memref<10000x128xf32, #tpu.memory_space<hbm>> -> memref<10000x128xf32, #tpu.memory_space<hbm>>
      tpu.wait_indirect_dma semaphore(%arg10 : memref<!tpu.dma_semaphore, #tpu.memory_space<semaphore_mem>>) src(%dma_wait3A_78 : memref<10000x128xf32, #tpu.memory_space<hbm>>) dst(%arg8 : memref<125x128xf32, #tpu.memory_space<vmem>>)
      "tpu.region"() ({
        %run_scoped3A = tpu.sem_alloc : memref<!tpu.dma_semaphore, #tpu.memory_space<semaphore_mem>>
        %dma_start3A_79 = arith.constant 0 : i32
        %dma_start3A_80 = tpu.memref_slice %arg7[%scan3A_66, %dma_start3A_79] : memref<80x125xi32, #tpu.memory_space<vmem>> -> memref<1x125xi32, #tpu.memory_space<vmem>>
        %dma_start3A_81 = tpu.memref_squeeze %dma_start3A_80 : memref<1x125xi32, #tpu.memory_space<vmem>> -> memref<125xi32, #tpu.memory_space<vmem>>
        %dma_start3A_82 = arith.constant 0 : i32
        %dma_start3A_83 = arith.constant 0 : i32
        %dma_start3A_84 = tpu.memref_slice %arg9[%dma_start3A_82, %dma_start3A_83] : memref<10000x128xf32, #tpu.memory_space<vmem_shared>> -> memref<10000x128xf32, #tpu.memory_space<vmem_shared>>
        tpu.enqueue_indirect_dma source(%arg8 : memref<125x128xf32, #tpu.memory_space<vmem>>) target(%dma_start3A_84 : memref<10000x128xf32, #tpu.memory_space<vmem_shared>>) offsets(%dma_start3A_81 : memref<125xi32, #tpu.memory_space<vmem>>) semaphore(%run_scoped3A : memref<!tpu.dma_semaphore, #tpu.memory_space<semaphore_mem>>) {add = true}
        %dma_wait3A_85 = arith.constant 0 : i32
        %dma_wait3A_86 = tpu.memref_slice %arg7[%scan3A_66, %dma_wait3A_85] : memref<80x125xi32, #tpu.memory_space<vmem>> -> memref<1x125xi32, #tpu.memory_space<vmem>>
        %dma_wait3A_87 = tpu.memref_squeeze %dma_wait3A_86 : memref<1x125xi32, #tpu.memory_space<vmem>> -> memref<125xi32, #tpu.memory_space<vmem>>
        %dma_wait3A_88 = arith.constant 0 : i32
        %dma_wait3A_89 = arith.constant 0 : i32
        %dma_wait3A_90 = tpu.memref_slice %arg9[%dma_wait3A_88, %dma_wait3A_89] : memref<10000x128xf32, #tpu.memory_space<vmem_shared>> -> memref<10000x128xf32, #tpu.memory_space<vmem_shared>>
        tpu.wait_indirect_dma semaphore(%run_scoped3A : memref<!tpu.dma_semaphore, #tpu.memory_space<semaphore_mem>>) src(%arg8 : memref<125x128xf32, #tpu.memory_space<vmem>>) dst(%dma_wait3A_90 : memref<10000x128xf32, #tpu.memory_space<vmem_shared>>)
        tpu.yield
      }) : () -> ()
    }
    %scan3A_56 = arith.constant 80 : i32
    %barrier3A_57 = arith.constant 0 : index
    tpu.barrier barrier_id(%barrier3A_57)
    %mul3A_58 = arith.constant 10000 : i32
    %mul3A_59 = arith.muli %arg0, %mul3A_58 : i32
    %add3A_60 = arith.addi %mul3A_59, %mul3A_23 : i32
    "tpu.region"() ({
      %run_scoped3A = tpu.sem_alloc : memref<!tpu.dma_semaphore, #tpu.memory_space<semaphore_mem>>
      %dma_start3A_66 = arith.constant 0 : i32
      %dma_start3A_67 = tpu.memref_slice %arg5[%add3A_60, %dma_start3A_66] : memref<20000x128xf32, #tpu.memory_space<hbm>> -> memref<624x128xf32, #tpu.memory_space<hbm>>
      %dma_start3A_68 = arith.constant 0 : i32
      %dma_start3A_69 = tpu.memref_slice %arg9[%mul3A_23, %dma_start3A_68] : memref<10000x128xf32, #tpu.memory_space<vmem_shared>> -> memref<624x128xf32, #tpu.memory_space<vmem_shared>>
      tpu.enqueue_dma source(%dma_start3A_69 : memref<624x128xf32, #tpu.memory_space<vmem_shared>>) target(%dma_start3A_67 : memref<624x128xf32, #tpu.memory_space<hbm>>) target_semaphore(%run_scoped3A : memref<!tpu.dma_semaphore, #tpu.memory_space<semaphore_mem>>)
      %dma_wait3A_70 = arith.constant 0 : i32
      %dma_wait3A_71 = tpu.memref_slice %arg5[%add3A_60, %dma_wait3A_70] : memref<20000x128xf32, #tpu.memory_space<hbm>> -> memref<624x128xf32, #tpu.memory_space<hbm>>
      %dma_wait3A_72 = arith.constant 0 : i32
      %dma_wait3A_73 = tpu.memref_slice %arg9[%mul3A_23, %dma_wait3A_72] : memref<10000x128xf32, #tpu.memory_space<vmem_shared>> -> memref<624x128xf32, #tpu.memory_space<vmem_shared>>
      tpu.wait_dma2 semaphore(%run_scoped3A : memref<!tpu.dma_semaphore, #tpu.memory_space<semaphore_mem>>) src(%dma_wait3A_73 : memref<624x128xf32, #tpu.memory_space<vmem_shared>>) dst(%dma_wait3A_71 : memref<624x128xf32, #tpu.memory_space<hbm>>)
      tpu.yield
    }) : () -> ()
    %eq3A_61 = arith.constant 15 : i32
    %eq3A_62 = arith.cmpi eq, %arg1, %eq3A_61 : i32
    %convert_element_type3A_63 = arith.extui %eq3A_62 : i1 to i32
    %cond3A_64 = arith.constant 0 : i32
    %cond3A_65 = arith.cmpi ne, %convert_element_type3A_63, %cond3A_64 : i32
    scf.if %cond3A_65 {
      %mul3A_66 = arith.constant 10000 : i32
      %mul3A_67 = arith.muli %arg0, %mul3A_66 : i32
      %add3A_68 = arith.constant 10000 : i32
      %add3A_69 = arith.addi %mul3A_67, %add3A_68 : i32
      %sub3A = arith.constant 16 : i32
      %sub3A_70 = arith.subi %add3A_69, %sub3A : i32
      "tpu.region"() ({
        %run_scoped3A = tpu.sem_alloc : memref<!tpu.dma_semaphore, #tpu.memory_space<semaphore_mem>>
        %dma_start3A_71 = arith.constant 0 : i32
        %dma_start3A_72 = tpu.memref_slice %arg5[%sub3A_70, %dma_start3A_71] : memref<20000x128xf32, #tpu.memory_space<hbm>> -> memref<16x128xf32, #tpu.memory_space<hbm>>
        %dma_start3A_73 = arith.constant 9984 : i32
        %dma_start3A_74 = arith.constant 0 : i32
        %dma_start3A_75 = tpu.memref_slice %arg9[%dma_start3A_73, %dma_start3A_74] : memref<10000x128xf32, #tpu.memory_space<vmem_shared>> -> memref<16x128xf32, #tpu.memory_space<vmem_shared>>
        tpu.enqueue_dma source(%dma_start3A_75 : memref<16x128xf32, #tpu.memory_space<vmem_shared>>) target(%dma_start3A_72 : memref<16x128xf32, #tpu.memory_space<hbm>>) target_semaphore(%run_scoped3A : memref<!tpu.dma_semaphore, #tpu.memory_space<semaphore_mem>>)
        %dma_wait3A_76 = arith.constant 0 : i32
        %dma_wait3A_77 = tpu.memref_slice %arg5[%sub3A_70, %dma_wait3A_76] : memref<20000x128xf32, #tpu.memory_space<hbm>> -> memref<16x128xf32, #tpu.memory_space<hbm>>
        %dma_wait3A_78 = arith.constant 9984 : i32
        %dma_wait3A_79 = arith.constant 0 : i32
        %dma_wait3A_80 = tpu.memref_slice %arg9[%dma_wait3A_78, %dma_wait3A_79] : memref<10000x128xf32, #tpu.memory_space<vmem_shared>> -> memref<16x128xf32, #tpu.memory_space<vmem_shared>>
        tpu.wait_dma2 semaphore(%run_scoped3A : memref<!tpu.dma_semaphore, #tpu.memory_space<semaphore_mem>>) src(%dma_wait3A_80 : memref<16x128xf32, #tpu.memory_space<vmem_shared>>) dst(%dma_wait3A_77 : memref<16x128xf32, #tpu.memory_space<hbm>>)
        tpu.yield
      }) : () -> ()
    } else {
    }
    return
  }
}

#map = affine_map<(d0, d1) -> (0, 0, 0)>
#map1 = affine_map<(d0, d1) -> (0)>
module attributes {stable_mosaic.version = 14 : i64} {
  func.func @_deg_body(%arg0: i32, %arg1: i32, %arg2: memref<32x125x80xi32, #tpu.memory_space<hbm>>, %arg3: memref<320000xf32, #tpu.memory_space<hbm>>, %arg4: memref<125x80xi32, #tpu.memory_space<vmem>>, %arg5: memref<10000xf32, #tpu.memory_space<vmem>>, %arg6: memref<!tpu.dma_semaphore, #tpu.memory_space<semaphore_mem>>) attributes {dimension_semantics = [#tpu.dimension_semantics<core_parallel>, #tpu.dimension_semantics<subcore_parallel>], iteration_bounds = array<i64: 2, 16>, scalar_prefetch = 0 : i64, scratch_operands = 3 : i64, tpu.core_type = #tpu.core_type<sc_vector_subcore>, window_params = [{transform_indices = #map}, {transform_indices = #map1}]} {
    %mul3A = arith.constant 16 : i32
    %mul3A_0 = arith.muli %arg0, %mul3A : i32
    %add3A = arith.addi %mul3A_0, %arg1 : i32
    %dma_start3A = arith.constant 0 : i32
    %dma_start3A_1 = arith.constant 0 : i32
    %dma_start3A_2 = tpu.memref_slice %arg2[%add3A, %dma_start3A, %dma_start3A_1] : memref<32x125x80xi32, #tpu.memory_space<hbm>> -> memref<1x125x80xi32, #tpu.memory_space<hbm>>
    %dma_start3A_3 = tpu.memref_squeeze %dma_start3A_2 : memref<1x125x80xi32, #tpu.memory_space<hbm>> -> memref<125x80xi32, #tpu.memory_space<hbm>>
    %dma_start3A_4 = arith.constant 0 : i32
    %dma_start3A_5 = arith.constant 0 : i32
    %dma_start3A_6 = tpu.memref_slice %arg2[%add3A, %dma_start3A_4, %dma_start3A_5] : memref<32x125x80xi32, #tpu.memory_space<hbm>> -> memref<1x125x80xi32, #tpu.memory_space<hbm>>
    %dma_start3A_7 = tpu.memref_squeeze %dma_start3A_6 : memref<1x125x80xi32, #tpu.memory_space<hbm>> -> memref<125x80xi32, #tpu.memory_space<hbm>>
    tpu.enqueue_dma source(%dma_start3A_7 : memref<125x80xi32, #tpu.memory_space<hbm>>) target(%arg4 : memref<125x80xi32, #tpu.memory_space<vmem>>) target_semaphore(%arg6 : memref<!tpu.dma_semaphore, #tpu.memory_space<semaphore_mem>>)
    %dma_wait3A = arith.constant 0 : i32
    %dma_wait3A_8 = arith.constant 0 : i32
    %dma_wait3A_9 = tpu.memref_slice %arg2[%add3A, %dma_wait3A, %dma_wait3A_8] : memref<32x125x80xi32, #tpu.memory_space<hbm>> -> memref<1x125x80xi32, #tpu.memory_space<hbm>>
    %dma_wait3A_10 = tpu.memref_squeeze %dma_wait3A_9 : memref<1x125x80xi32, #tpu.memory_space<hbm>> -> memref<125x80xi32, #tpu.memory_space<hbm>>
    %dma_wait3A_11 = arith.constant 0 : i32
    %dma_wait3A_12 = arith.constant 0 : i32
    %dma_wait3A_13 = tpu.memref_slice %arg2[%add3A, %dma_wait3A_11, %dma_wait3A_12] : memref<32x125x80xi32, #tpu.memory_space<hbm>> -> memref<1x125x80xi32, #tpu.memory_space<hbm>>
    %dma_wait3A_14 = tpu.memref_squeeze %dma_wait3A_13 : memref<1x125x80xi32, #tpu.memory_space<hbm>> -> memref<125x80xi32, #tpu.memory_space<hbm>>
    tpu.wait_dma2 semaphore(%arg6 : memref<!tpu.dma_semaphore, #tpu.memory_space<semaphore_mem>>) src(%dma_wait3A_14 : memref<125x80xi32, #tpu.memory_space<hbm>>) dst(%arg4 : memref<125x80xi32, #tpu.memory_space<vmem>>)
    %broadcast_in_dim3A = arith.constant 0.000000e+00 : f32
    %broadcast_in_dim3A_15 = vector.broadcast %broadcast_in_dim3A : f32 to vector<16xf32>
    %scan3A = arith.constant 0 : i32
    %scan3A_16 = arith.constant 0 : i32
    %scan3A_17 = arith.constant 625 : i32
    %scan3A_18 = arith.addi %scan3A_16, %scan3A_17 : i32
    %scan3A_19 = arith.constant 1 : i32
    scf.for %scan3A_31 = %scan3A_16 to %scan3A_18 step %scan3A_19  : i32 {
      %mul3A_32 = arith.constant 16 : i32
      %mul3A_33 = arith.muli %scan3A_31, %mul3A_32 : i32
      %swap3A = arith.index_cast %mul3A_33 : i32 to index
      %swap3A_34 = tpu.vector_load %arg5[%swap3A] {strides = array<i32>} : memref<10000xf32, #tpu.memory_space<vmem>>, vector<16xf32>,
      tpu.vector_store %arg5[%swap3A], %broadcast_in_dim3A_15 {strides = array<i32>} : memref<10000xf32, #tpu.memory_space<vmem>>, vector<16xf32>,
    }
    %scan3A_20 = arith.constant 625 : i32
    %broadcast_in_dim3A_21 = arith.constant 1.000000e+00 : f32
    %broadcast_in_dim3A_22 = vector.broadcast %broadcast_in_dim3A_21 : f32 to vector<16xf32>
    %scan3A_23 = arith.constant 0 : i32
    %scan3A_24 = arith.constant 0 : i32
    %scan3A_25 = arith.constant 125 : i32
    %scan3A_26 = arith.addi %scan3A_24, %scan3A_25 : i32
    %scan3A_27 = arith.constant 1 : i32
    scf.for %scan3A_31 = %scan3A_24 to %scan3A_26 step %scan3A_27  : i32 {
      %get3A = arith.index_cast %scan3A_31 : i32 to index
      %get3A_32 = arith.constant 0 : index
      %get3A_33 = tpu.vector_load %arg4[%get3A, %get3A_32] {strides = array<i32>} : memref<125x80xi32, #tpu.memory_space<vmem>>, vector<16xi32>,
      tpu.vector_store_idx %arg5[%get3A_33], %broadcast_in_dim3A_22 {add = true} : memref<10000xf32, #tpu.memory_space<vmem>>[vector<16xi32>], vector<16xf32>,
      %get3A_34 = arith.index_cast %scan3A_31 : i32 to index
      %get3A_35 = arith.constant 16 : index
      %get3A_36 = tpu.vector_load %arg4[%get3A_34, %get3A_35] {strides = array<i32>} : memref<125x80xi32, #tpu.memory_space<vmem>>, vector<16xi32>,
      tpu.vector_store_idx %arg5[%get3A_36], %broadcast_in_dim3A_22 {add = true} : memref<10000xf32, #tpu.memory_space<vmem>>[vector<16xi32>], vector<16xf32>,
      %get3A_37 = arith.index_cast %scan3A_31 : i32 to index
      %get3A_38 = arith.constant 32 : index
      %get3A_39 = tpu.vector_load %arg4[%get3A_37, %get3A_38] {strides = array<i32>} : memref<125x80xi32, #tpu.memory_space<vmem>>, vector<16xi32>,
      tpu.vector_store_idx %arg5[%get3A_39], %broadcast_in_dim3A_22 {add = true} : memref<10000xf32, #tpu.memory_space<vmem>>[vector<16xi32>], vector<16xf32>,
      %get3A_40 = arith.index_cast %scan3A_31 : i32 to index
      %get3A_41 = arith.constant 48 : index
      %get3A_42 = tpu.vector_load %arg4[%get3A_40, %get3A_41] {strides = array<i32>} : memref<125x80xi32, #tpu.memory_space<vmem>>, vector<16xi32>,
      tpu.vector_store_idx %arg5[%get3A_42], %broadcast_in_dim3A_22 {add = true} : memref<10000xf32, #tpu.memory_space<vmem>>[vector<16xi32>], vector<16xf32>,
      %get3A_43 = arith.index_cast %scan3A_31 : i32 to index
      %get3A_44 = arith.constant 64 : index
      %get3A_45 = tpu.vector_load %arg4[%get3A_43, %get3A_44] {strides = array<i32>} : memref<125x80xi32, #tpu.memory_space<vmem>>, vector<16xi32>,
      tpu.vector_store_idx %arg5[%get3A_45], %broadcast_in_dim3A_22 {add = true} : memref<10000xf32, #tpu.memory_space<vmem>>[vector<16xi32>], vector<16xf32>,
    }
    %scan3A_28 = arith.constant 125 : i32
    %mul3A_29 = arith.constant 10000 : i32
    %mul3A_30 = arith.muli %add3A, %mul3A_29 : i32
    "tpu.region"() ({
      %run_scoped3A = tpu.sem_alloc : memref<!tpu.dma_semaphore, #tpu.memory_space<semaphore_mem>>
      %dma_start3A_31 = tpu.memref_slice %arg3[%mul3A_30] : memref<320000xf32, #tpu.memory_space<hbm>> -> memref<10000xf32, #tpu.memory_space<hbm>>
      %dma_start3A_32 = tpu.memref_slice %arg3[%mul3A_30] : memref<320000xf32, #tpu.memory_space<hbm>> -> memref<10000xf32, #tpu.memory_space<hbm>>
      tpu.enqueue_dma source(%arg5 : memref<10000xf32, #tpu.memory_space<vmem>>) target(%dma_start3A_32 : memref<10000xf32, #tpu.memory_space<hbm>>) target_semaphore(%run_scoped3A : memref<!tpu.dma_semaphore, #tpu.memory_space<semaphore_mem>>)
      %dma_wait3A_33 = tpu.memref_slice %arg3[%mul3A_30] : memref<320000xf32, #tpu.memory_space<hbm>> -> memref<10000xf32, #tpu.memory_space<hbm>>
      %dma_wait3A_34 = tpu.memref_slice %arg3[%mul3A_30] : memref<320000xf32, #tpu.memory_space<hbm>> -> memref<10000xf32, #tpu.memory_space<hbm>>
      tpu.wait_dma2 semaphore(%run_scoped3A : memref<!tpu.dma_semaphore, #tpu.memory_space<semaphore_mem>>) src(%arg5 : memref<10000xf32, #tpu.memory_space<vmem>>) dst(%dma_wait3A_34 : memref<10000xf32, #tpu.memory_space<hbm>>)
      tpu.yield
    }) : () -> ()
    return
  }
}

#map = affine_map<(d0, d1) -> (0, 0)>
#map1 = affine_map<(d0, d1) -> (0, 0, 0)>
module attributes {stable_mosaic.version = 14 : i64} {
  func.func @_msg_body(%arg0: i32, %arg1: i32, %arg2: memref<10000x128xf32, #tpu.memory_space<hbm>>, %arg3: memref<32x80x125xi32, #tpu.memory_space<hbm>>, %arg4: memref<32x80x125xi32, #tpu.memory_space<hbm>>, %arg5: memref<20000x128xf32, #tpu.memory_space<hbm>>, %arg6: memref<80x125xi32, #tpu.memory_space<vmem>>, %arg7: memref<80x125xi32, #tpu.memory_space<vmem>>, %arg8: memref<125x128xf32, #tpu.memory_space<vmem>>, %arg9: memref<10000x128xf32, #tpu.memory_space<vmem_shared>>, %arg10: memref<!tpu.dma_semaphore, #tpu.memory_space<semaphore_mem>>) attributes {dimension_semantics = [#tpu.dimension_semantics<core_parallel>, #tpu.dimension_semantics<subcore_parallel>], iteration_bounds = array<i64: 2, 16>, scalar_prefetch = 0 : i64, scratch_operands = 5 : i64, tpu.core_type = #tpu.core_type<sc_vector_subcore>, window_params = [{transform_indices = #map}, {transform_indices = #map1}, {transform_indices = #map1}, {transform_indices = #map}]} {
    %mul3A = arith.constant 16 : i32
    %mul3A_0 = arith.muli %arg0, %mul3A : i32
    %add3A = arith.addi %mul3A_0, %arg1 : i32
    %dma_start3A = arith.constant 0 : i32
    %dma_start3A_1 = arith.constant 0 : i32
    %dma_start3A_2 = tpu.memref_slice %arg3[%add3A, %dma_start3A, %dma_start3A_1] : memref<32x80x125xi32, #tpu.memory_space<hbm>> -> memref<1x80x125xi32, #tpu.memory_space<hbm>>
    %dma_start3A_3 = tpu.memref_squeeze %dma_start3A_2 : memref<1x80x125xi32, #tpu.memory_space<hbm>> -> memref<80x125xi32, #tpu.memory_space<hbm>>
    %dma_start3A_4 = arith.constant 0 : i32
    %dma_start3A_5 = arith.constant 0 : i32
    %dma_start3A_6 = tpu.memref_slice %arg3[%add3A, %dma_start3A_4, %dma_start3A_5] : memref<32x80x125xi32, #tpu.memory_space<hbm>> -> memref<1x80x125xi32, #tpu.memory_space<hbm>>
    %dma_start3A_7 = tpu.memref_squeeze %dma_start3A_6 : memref<1x80x125xi32, #tpu.memory_space<hbm>> -> memref<80x125xi32, #tpu.memory_space<hbm>>
    tpu.enqueue_dma source(%dma_start3A_7 : memref<80x125xi32, #tpu.memory_space<hbm>>) target(%arg6 : memref<80x125xi32, #tpu.memory_space<vmem>>) target_semaphore(%arg10 : memref<!tpu.dma_semaphore, #tpu.memory_space<semaphore_mem>>)
    %dma_start3A_8 = arith.constant 0 : i32
    %dma_start3A_9 = arith.constant 0 : i32
    %dma_start3A_10 = tpu.memref_slice %arg4[%add3A, %dma_start3A_8, %dma_start3A_9] : memref<32x80x125xi32, #tpu.memory_space<hbm>> -> memref<1x80x125xi32, #tpu.memory_space<hbm>>
    %dma_start3A_11 = tpu.memref_squeeze %dma_start3A_10 : memref<1x80x125xi32, #tpu.memory_space<hbm>> -> memref<80x125xi32, #tpu.memory_space<hbm>>
    %dma_start3A_12 = arith.constant 0 : i32
    %dma_start3A_13 = arith.constant 0 : i32
    %dma_start3A_14 = tpu.memref_slice %arg4[%add3A, %dma_start3A_12, %dma_start3A_13] : memref<32x80x125xi32, #tpu.memory_space<hbm>> -> memref<1x80x125xi32, #tpu.memory_space<hbm>>
    %dma_start3A_15 = tpu.memref_squeeze %dma_start3A_14 : memref<1x80x125xi32, #tpu.memory_space<hbm>> -> memref<80x125xi32, #tpu.memory_space<hbm>>
    tpu.enqueue_dma source(%dma_start3A_15 : memref<80x125xi32, #tpu.memory_space<hbm>>) target(%arg7 : memref<80x125xi32, #tpu.memory_space<vmem>>) target_semaphore(%arg10 : memref<!tpu.dma_semaphore, #tpu.memory_space<semaphore_mem>>)
    %broadcast_in_dim3A = arith.constant 0.000000e+00 : f32
    %broadcast_in_dim3A_16 = vector.broadcast %broadcast_in_dim3A : f32 to vector<16xf32>
    %scan3A = arith.constant 0 : i32
    %scan3A_17 = arith.constant 0 : i32
    %scan3A_18 = arith.constant 1000 : i32
    %scan3A_19 = arith.addi %scan3A_17, %scan3A_18 : i32
    %scan3A_20 = arith.constant 1 : i32
    scf.for %scan3A_66 = %scan3A_17 to %scan3A_19 step %scan3A_20  : i32 {
      %jit3A = arith.constant 8 : i32
      %div3A = arith.divsi %scan3A_66, %jit3A : i32
      %sign3A = arith.constant 0 : i32
      %sign3A_67 = arith.cmpi sgt, %scan3A_66, %sign3A : i32
      %sign3A_68 = arith.extui %sign3A_67 : i1 to i32
      %sign3A_69 = arith.constant 0 : i32
      %sign3A_70 = arith.cmpi slt, %scan3A_66, %sign3A_69 : i32
      %sign3A_71 = arith.extui %sign3A_70 : i1 to i32
      %sign3A_72 = arith.subi %sign3A_68, %sign3A_71 : i32
      %sign3A_73 = arith.constant 0 : i32
      %sign3A_74 = arith.cmpi sgt, %jit3A, %sign3A_73 : i32
      %sign3A_75 = arith.extui %sign3A_74 : i1 to i32
      %sign3A_76 = arith.constant 0 : i32
      %sign3A_77 = arith.cmpi slt, %jit3A, %sign3A_76 : i32
      %sign3A_78 = arith.extui %sign3A_77 : i1 to i32
      %sign3A_79 = arith.subi %sign3A_75, %sign3A_78 : i32
      %ne3A = arith.cmpi ne, %sign3A_72, %sign3A_79 : i32
      %rem3A = arith.remsi %scan3A_66, %jit3A : i32
      %ne3A_80 = arith.constant 0 : i32
      %ne3A_81 = arith.cmpi ne, %rem3A, %ne3A_80 : i32
      %and3A = arith.andi %ne3A, %ne3A_81 : i1
      %sub3A = arith.constant 1 : i32
      %sub3A_82 = arith.subi %div3A, %sub3A : i32
      %select_n3A = arith.select %and3A, %sub3A_82, %div3A : i32
      %jit3A_83 = arith.constant 8 : i32
      %eq3A_84 = arith.constant 0 : i32
      %eq3A_85 = arith.cmpi eq, %jit3A_83, %eq3A_84 : i32
      %jit3A_86 = arith.constant 1 : i32
      %select_n3A_87 = arith.select %eq3A_85, %jit3A_86, %jit3A_83 : i32
      %rem3A_88 = arith.remsi %scan3A_66, %select_n3A_87 : i32
      %ne3A_89 = arith.constant 0 : i32
      %ne3A_90 = arith.cmpi ne, %rem3A_88, %ne3A_89 : i32
      %lt3A = arith.constant 0 : i32
      %lt3A_91 = arith.cmpi slt, %rem3A_88, %lt3A : i32
      %lt3A_92 = arith.constant 0 : i32
      %lt3A_93 = arith.cmpi slt, %select_n3A_87, %lt3A_92 : i32
      %ne3A_94 = arith.xori %lt3A_91, %lt3A_93 : i1
      %and3A_95 = arith.andi %ne3A_94, %ne3A_90 : i1
      %add3A_96 = arith.addi %rem3A_88, %select_n3A_87 : i32
      %select_n3A_97 = arith.select %and3A_95, %add3A_96, %rem3A_88 : i32
      %mul3A_98 = arith.constant 16 : i32
      %mul3A_99 = arith.muli %select_n3A_97, %mul3A_98 : i32
      %swap3A = arith.index_cast %select_n3A : i32 to index
      %swap3A_100 = arith.index_cast %mul3A_99 : i32 to index
      %swap3A_101 = tpu.vector_load %arg8[%swap3A, %swap3A_100] {strides = array<i32>} : memref<125x128xf32, #tpu.memory_space<vmem>>, vector<1x16xf32>,
      %swap3A_102 = vector.shape_cast %swap3A_101 : vector<1x16xf32> to vector<16xf32>
      %swap3A_103 = vector.shape_cast %broadcast_in_dim3A_16 : vector<16xf32> to vector<1x16xf32>
      tpu.vector_store %arg8[%swap3A, %swap3A_100], %swap3A_103 {strides = array<i32>} : memref<125x128xf32, #tpu.memory_space<vmem>>, vector<1x16xf32>,
    }
    %scan3A_21 = arith.constant 1000 : i32
    %mul3A_22 = arith.constant 624 : i32
    %mul3A_23 = arith.muli %arg1, %mul3A_22 : i32
    %add3A_24 = arith.constant 0 : i32
    %add3A_25 = arith.addi %mul3A_23, %add3A_24 : i32
    "tpu.region"() ({
      %run_scoped3A = tpu.sem_alloc : memref<!tpu.dma_semaphore, #tpu.memory_space<semaphore_mem>>
      %dma_start3A_66 = arith.constant 0 : i32
      %dma_start3A_67 = tpu.memref_slice %arg9[%add3A_25, %dma_start3A_66] : memref<10000x128xf32, #tpu.memory_space<vmem_shared>> -> memref<125x128xf32, #tpu.memory_space<vmem_shared>>
      %dma_start3A_68 = arith.constant 0 : i32
      %dma_start3A_69 = tpu.memref_slice %arg9[%add3A_25, %dma_start3A_68] : memref<10000x128xf32, #tpu.memory_space<vmem_shared>> -> memref<125x128xf32, #tpu.memory_space<vmem_shared>>
      tpu.enqueue_dma source(%arg8 : memref<125x128xf32, #tpu.memory_space<vmem>>) target(%dma_start3A_69 : memref<125x128xf32, #tpu.memory_space<vmem_shared>>) target_semaphore(%run_scoped3A : memref<!tpu.dma_semaphore, #tpu.memory_space<semaphore_mem>>)
      %dma_wait3A_70 = arith.constant 0 : i32
      %dma_wait3A_71 = tpu.memref_slice %arg9[%add3A_25, %dma_wait3A_70] : memref<10000x128xf32, #tpu.memory_space<vmem_shared>> -> memref<125x128xf32, #tpu.memory_space<vmem_shared>>
      %dma_wait3A_72 = arith.constant 0 : i32
      %dma_wait3A_73 = tpu.memref_slice %arg9[%add3A_25, %dma_wait3A_72] : memref<10000x128xf32, #tpu.memory_space<vmem_shared>> -> memref<125x128xf32, #tpu.memory_space<vmem_shared>>
      tpu.wait_dma2 semaphore(%run_scoped3A : memref<!tpu.dma_semaphore, #tpu.memory_space<semaphore_mem>>) src(%arg8 : memref<125x128xf32, #tpu.memory_space<vmem>>) dst(%dma_wait3A_73 : memref<125x128xf32, #tpu.memory_space<vmem_shared>>)
      tpu.yield
    }) : () -> ()
    %add3A_26 = arith.constant 125 : i32
    %add3A_27 = arith.addi %mul3A_23, %add3A_26 : i32
    "tpu.region"() ({
      %run_scoped3A = tpu.sem_alloc : memref<!tpu.dma_semaphore, #tpu.memory_space<semaphore_mem>>
      %dma_start3A_66 = arith.constant 0 : i32
      %dma_start3A_67 = tpu.memref_slice %arg9[%add3A_27, %dma_start3A_66] : memref<10000x128xf32, #tpu.memory_space<vmem_shared>> -> memref<125x128xf32, #tpu.memory_space<vmem_shared>>
      %dma_start3A_68 = arith.constant 0 : i32
      %dma_start3A_69 = tpu.memref_slice %arg9[%add3A_27, %dma_start3A_68] : memref<10000x128xf32, #tpu.memory_space<vmem_shared>> -> memref<125x128xf32, #tpu.memory_space<vmem_shared>>
      tpu.enqueue_dma source(%arg8 : memref<125x128xf32, #tpu.memory_space<vmem>>) target(%dma_start3A_69 : memref<125x128xf32, #tpu.memory_space<vmem_shared>>) target_semaphore(%run_scoped3A : memref<!tpu.dma_semaphore, #tpu.memory_space<semaphore_mem>>)
      %dma_wait3A_70 = arith.constant 0 : i32
      %dma_wait3A_71 = tpu.memref_slice %arg9[%add3A_27, %dma_wait3A_70] : memref<10000x128xf32, #tpu.memory_space<vmem_shared>> -> memref<125x128xf32, #tpu.memory_space<vmem_shared>>
      %dma_wait3A_72 = arith.constant 0 : i32
      %dma_wait3A_73 = tpu.memref_slice %arg9[%add3A_27, %dma_wait3A_72] : memref<10000x128xf32, #tpu.memory_space<vmem_shared>> -> memref<125x128xf32, #tpu.memory_space<vmem_shared>>
      tpu.wait_dma2 semaphore(%run_scoped3A : memref<!tpu.dma_semaphore, #tpu.memory_space<semaphore_mem>>) src(%arg8 : memref<125x128xf32, #tpu.memory_space<vmem>>) dst(%dma_wait3A_73 : memref<125x128xf32, #tpu.memory_space<vmem_shared>>)
      tpu.yield
    }) : () -> ()
    %add3A_28 = arith.constant 250 : i32
    %add3A_29 = arith.addi %mul3A_23, %add3A_28 : i32
    "tpu.region"() ({
      %run_scoped3A = tpu.sem_alloc : memref<!tpu.dma_semaphore, #tpu.memory_space<semaphore_mem>>
      %dma_start3A_66 = arith.constant 0 : i32
      %dma_start3A_67 = tpu.memref_slice %arg9[%add3A_29, %dma_start3A_66] : memref<10000x128xf32, #tpu.memory_space<vmem_shared>> -> memref<125x128xf32, #tpu.memory_space<vmem_shared>>
      %dma_start3A_68 = arith.constant 0 : i32
      %dma_start3A_69 = tpu.memref_slice %arg9[%add3A_29, %dma_start3A_68] : memref<10000x128xf32, #tpu.memory_space<vmem_shared>> -> memref<125x128xf32, #tpu.memory_space<vmem_shared>>
      tpu.enqueue_dma source(%arg8 : memref<125x128xf32, #tpu.memory_space<vmem>>) target(%dma_start3A_69 : memref<125x128xf32, #tpu.memory_space<vmem_shared>>) target_semaphore(%run_scoped3A : memref<!tpu.dma_semaphore, #tpu.memory_space<semaphore_mem>>)
      %dma_wait3A_70 = arith.constant 0 : i32
      %dma_wait3A_71 = tpu.memref_slice %arg9[%add3A_29, %dma_wait3A_70] : memref<10000x128xf32, #tpu.memory_space<vmem_shared>> -> memref<125x128xf32, #tpu.memory_space<vmem_shared>>
      %dma_wait3A_72 = arith.constant 0 : i32
      %dma_wait3A_73 = tpu.memref_slice %arg9[%add3A_29, %dma_wait3A_72] : memref<10000x128xf32, #tpu.memory_space<vmem_shared>> -> memref<125x128xf32, #tpu.memory_space<vmem_shared>>
      tpu.wait_dma2 semaphore(%run_scoped3A : memref<!tpu.dma_semaphore, #tpu.memory_space<semaphore_mem>>) src(%arg8 : memref<125x128xf32, #tpu.memory_space<vmem>>) dst(%dma_wait3A_73 : memref<125x128xf32, #tpu.memory_space<vmem_shared>>)
      tpu.yield
    }) : () -> ()
    %add3A_30 = arith.constant 375 : i32
    %add3A_31 = arith.addi %mul3A_23, %add3A_30 : i32
    "tpu.region"() ({
      %run_scoped3A = tpu.sem_alloc : memref<!tpu.dma_semaphore, #tpu.memory_space<semaphore_mem>>
      %dma_start3A_66 = arith.constant 0 : i32
      %dma_start3A_67 = tpu.memref_slice %arg9[%add3A_31, %dma_start3A_66] : memref<10000x128xf32, #tpu.memory_space<vmem_shared>> -> memref<125x128xf32, #tpu.memory_space<vmem_shared>>
      %dma_start3A_68 = arith.constant 0 : i32
      %dma_start3A_69 = tpu.memref_slice %arg9[%add3A_31, %dma_start3A_68] : memref<10000x128xf32, #tpu.memory_space<vmem_shared>> -> memref<125x128xf32, #tpu.memory_space<vmem_shared>>
      tpu.enqueue_dma source(%arg8 : memref<125x128xf32, #tpu.memory_space<vmem>>) target(%dma_start3A_69 : memref<125x128xf32, #tpu.memory_space<vmem_shared>>) target_semaphore(%run_scoped3A : memref<!tpu.dma_semaphore, #tpu.memory_space<semaphore_mem>>)
      %dma_wait3A_70 = arith.constant 0 : i32
      %dma_wait3A_71 = tpu.memref_slice %arg9[%add3A_31, %dma_wait3A_70] : memref<10000x128xf32, #tpu.memory_space<vmem_shared>> -> memref<125x128xf32, #tpu.memory_space<vmem_shared>>
      %dma_wait3A_72 = arith.constant 0 : i32
      %dma_wait3A_73 = tpu.memref_slice %arg9[%add3A_31, %dma_wait3A_72] : memref<10000x128xf32, #tpu.memory_space<vmem_shared>> -> memref<125x128xf32, #tpu.memory_space<vmem_shared>>
      tpu.wait_dma2 semaphore(%run_scoped3A : memref<!tpu.dma_semaphore, #tpu.memory_space<semaphore_mem>>) src(%arg8 : memref<125x128xf32, #tpu.memory_space<vmem>>) dst(%dma_wait3A_73 : memref<125x128xf32, #tpu.memory_space<vmem_shared>>)
      tpu.yield
    }) : () -> ()
    %add3A_32 = arith.constant 500 : i32
    %add3A_33 = arith.addi %mul3A_23, %add3A_32 : i32
    "tpu.region"() ({
      %run_scoped3A = tpu.sem_alloc : memref<!tpu.dma_semaphore, #tpu.memory_space<semaphore_mem>>
      %dma_start3A_66 = arith.constant 0 : i32
      %dma_start3A_67 = arith.constant 0 : i32
      %dma_start3A_68 = tpu.memref_slice %arg8[%dma_start3A_66, %dma_start3A_67] : memref<125x128xf32, #tpu.memory_space<vmem>> -> memref<124x128xf32, #tpu.memory_space<vmem>>
      %dma_start3A_69 = arith.constant 0 : i32
      %dma_start3A_70 = tpu.memref_slice %arg9[%add3A_33, %dma_start3A_69] : memref<10000x128xf32, #tpu.memory_space<vmem_shared>> -> memref<124x128xf32, #tpu.memory_space<vmem_shared>>
      %dma_start3A_71 = arith.constant 0 : i32
      %dma_start3A_72 = tpu.memref_slice %arg9[%add3A_33, %dma_start3A_71] : memref<10000x128xf32, #tpu.memory_space<vmem_shared>> -> memref<124x128xf32, #tpu.memory_space<vmem_shared>>
      %dma_start3A_73 = arith.constant 0 : i32
      %dma_start3A_74 = arith.constant 0 : i32
      %dma_start3A_75 = tpu.memref_slice %arg8[%dma_start3A_73, %dma_start3A_74] : memref<125x128xf32, #tpu.memory_space<vmem>> -> memref<124x128xf32, #tpu.memory_space<vmem>>
      tpu.enqueue_dma source(%dma_start3A_75 : memref<124x128xf32, #tpu.memory_space<vmem>>) target(%dma_start3A_72 : memref<124x128xf32, #tpu.memory_space<vmem_shared>>) target_semaphore(%run_scoped3A : memref<!tpu.dma_semaphore, #tpu.memory_space<semaphore_mem>>)
      %dma_wait3A_76 = arith.constant 0 : i32
      %dma_wait3A_77 = arith.constant 0 : i32
      %dma_wait3A_78 = tpu.memref_slice %arg8[%dma_wait3A_76, %dma_wait3A_77] : memref<125x128xf32, #tpu.memory_space<vmem>> -> memref<124x128xf32, #tpu.memory_space<vmem>>
      %dma_wait3A_79 = arith.constant 0 : i32
      %dma_wait3A_80 = tpu.memref_slice %arg9[%add3A_33, %dma_wait3A_79] : memref<10000x128xf32, #tpu.memory_space<vmem_shared>> -> memref<124x128xf32, #tpu.memory_space<vmem_shared>>
      %dma_wait3A_81 = arith.constant 0 : i32
      %dma_wait3A_82 = tpu.memref_slice %arg9[%add3A_33, %dma_wait3A_81] : memref<10000x128xf32, #tpu.memory_space<vmem_shared>> -> memref<124x128xf32, #tpu.memory_space<vmem_shared>>
      %dma_wait3A_83 = arith.constant 0 : i32
      %dma_wait3A_84 = arith.constant 0 : i32
      %dma_wait3A_85 = tpu.memref_slice %arg8[%dma_wait3A_83, %dma_wait3A_84] : memref<125x128xf32, #tpu.memory_space<vmem>> -> memref<124x128xf32, #tpu.memory_space<vmem>>
      tpu.wait_dma2 semaphore(%run_scoped3A : memref<!tpu.dma_semaphore, #tpu.memory_space<semaphore_mem>>) src(%dma_wait3A_85 : memref<124x128xf32, #tpu.memory_space<vmem>>) dst(%dma_wait3A_82 : memref<124x128xf32, #tpu.memory_space<vmem_shared>>)
      tpu.yield
    }) : () -> ()
    %eq3A = arith.constant 15 : i32
    %eq3A_34 = arith.cmpi eq, %arg1, %eq3A : i32
    %convert_element_type3A = arith.extui %eq3A_34 : i1 to i32
    %cond3A = arith.constant 0 : i32
    %cond3A_35 = arith.cmpi ne, %convert_element_type3A, %cond3A : i32
    scf.if %cond3A_35 {
      "tpu.region"() ({
        %run_scoped3A = tpu.sem_alloc : memref<!tpu.dma_semaphore, #tpu.memory_space<semaphore_mem>>
        %dma_start3A_66 = arith.constant 0 : i32
        %dma_start3A_67 = arith.constant 0 : i32
        %dma_start3A_68 = tpu.memref_slice %arg8[%dma_start3A_66, %dma_start3A_67] : memref<125x128xf32, #tpu.memory_space<vmem>> -> memref<16x128xf32, #tpu.memory_space<vmem>>
        %dma_start3A_69 = arith.constant 9984 : i32
        %dma_start3A_70 = arith.constant 0 : i32
        %dma_start3A_71 = tpu.memref_slice %arg9[%dma_start3A_69, %dma_start3A_70] : memref<10000x128xf32, #tpu.memory_space<vmem_shared>> -> memref<16x128xf32, #tpu.memory_space<vmem_shared>>
        %dma_start3A_72 = arith.constant 9984 : i32
        %dma_start3A_73 = arith.constant 0 : i32
        %dma_start3A_74 = tpu.memref_slice %arg9[%dma_start3A_72, %dma_start3A_73] : memref<10000x128xf32, #tpu.memory_space<vmem_shared>> -> memref<16x128xf32, #tpu.memory_space<vmem_shared>>
        %dma_start3A_75 = arith.constant 0 : i32
        %dma_start3A_76 = arith.constant 0 : i32
        %dma_start3A_77 = tpu.memref_slice %arg8[%dma_start3A_75, %dma_start3A_76] : memref<125x128xf32, #tpu.memory_space<vmem>> -> memref<16x128xf32, #tpu.memory_space<vmem>>
        tpu.enqueue_dma source(%dma_start3A_77 : memref<16x128xf32, #tpu.memory_space<vmem>>) target(%dma_start3A_74 : memref<16x128xf32, #tpu.memory_space<vmem_shared>>) target_semaphore(%run_scoped3A : memref<!tpu.dma_semaphore, #tpu.memory_space<semaphore_mem>>)
        %dma_wait3A_78 = arith.constant 0 : i32
        %dma_wait3A_79 = arith.constant 0 : i32
        %dma_wait3A_80 = tpu.memref_slice %arg8[%dma_wait3A_78, %dma_wait3A_79] : memref<125x128xf32, #tpu.memory_space<vmem>> -> memref<16x128xf32, #tpu.memory_space<vmem>>
        %dma_wait3A_81 = arith.constant 9984 : i32
        %dma_wait3A_82 = arith.constant 0 : i32
        %dma_wait3A_83 = tpu.memref_slice %arg9[%dma_wait3A_81, %dma_wait3A_82] : memref<10000x128xf32, #tpu.memory_space<vmem_shared>> -> memref<16x128xf32, #tpu.memory_space<vmem_shared>>
        %dma_wait3A_84 = arith.constant 9984 : i32
        %dma_wait3A_85 = arith.constant 0 : i32
        %dma_wait3A_86 = tpu.memref_slice %arg9[%dma_wait3A_84, %dma_wait3A_85] : memref<10000x128xf32, #tpu.memory_space<vmem_shared>> -> memref<16x128xf32, #tpu.memory_space<vmem_shared>>
        %dma_wait3A_87 = arith.constant 0 : i32
        %dma_wait3A_88 = arith.constant 0 : i32
        %dma_wait3A_89 = tpu.memref_slice %arg8[%dma_wait3A_87, %dma_wait3A_88] : memref<125x128xf32, #tpu.memory_space<vmem>> -> memref<16x128xf32, #tpu.memory_space<vmem>>
        tpu.wait_dma2 semaphore(%run_scoped3A : memref<!tpu.dma_semaphore, #tpu.memory_space<semaphore_mem>>) src(%dma_wait3A_89 : memref<16x128xf32, #tpu.memory_space<vmem>>) dst(%dma_wait3A_86 : memref<16x128xf32, #tpu.memory_space<vmem_shared>>)
        tpu.yield
      }) : () -> ()
    } else {
    }
    %dma_wait3A = arith.constant 0 : i32
    %dma_wait3A_36 = arith.constant 0 : i32
    %dma_wait3A_37 = tpu.memref_slice %arg3[%add3A, %dma_wait3A, %dma_wait3A_36] : memref<32x80x125xi32, #tpu.memory_space<hbm>> -> memref<1x80x125xi32, #tpu.memory_space<hbm>>
    %dma_wait3A_38 = tpu.memref_squeeze %dma_wait3A_37 : memref<1x80x125xi32, #tpu.memory_space<hbm>> -> memref<80x125xi32, #tpu.memory_space<hbm>>
    %dma_wait3A_39 = arith.constant 0 : i32
    %dma_wait3A_40 = arith.constant 0 : i32
    %dma_wait3A_41 = tpu.memref_slice %arg3[%add3A, %dma_wait3A_39, %dma_wait3A_40] : memref<32x80x125xi32, #tpu.memory_space<hbm>> -> memref<1x80x125xi32, #tpu.memory_space<hbm>>
    %dma_wait3A_42 = tpu.memref_squeeze %dma_wait3A_41 : memref<1x80x125xi32, #tpu.memory_space<hbm>> -> memref<80x125xi32, #tpu.memory_space<hbm>>
    tpu.wait_dma2 semaphore(%arg10 : memref<!tpu.dma_semaphore, #tpu.memory_space<semaphore_mem>>) src(%dma_wait3A_42 : memref<80x125xi32, #tpu.memory_space<hbm>>) dst(%arg6 : memref<80x125xi32, #tpu.memory_space<vmem>>)
    %dma_wait3A_43 = arith.constant 0 : i32
    %dma_wait3A_44 = arith.constant 0 : i32
    %dma_wait3A_45 = tpu.memref_slice %arg4[%add3A, %dma_wait3A_43, %dma_wait3A_44] : memref<32x80x125xi32, #tpu.memory_space<hbm>> -> memref<1x80x125xi32, #tpu.memory_space<hbm>>
    %dma_wait3A_46 = tpu.memref_squeeze %dma_wait3A_45 : memref<1x80x125xi32, #tpu.memory_space<hbm>> -> memref<80x125xi32, #tpu.memory_space<hbm>>
    %dma_wait3A_47 = arith.constant 0 : i32
    %dma_wait3A_48 = arith.constant 0 : i32
    %dma_wait3A_49 = tpu.memref_slice %arg4[%add3A, %dma_wait3A_47, %dma_wait3A_48] : memref<32x80x125xi32, #tpu.memory_space<hbm>> -> memref<1x80x125xi32, #tpu.memory_space<hbm>>
    %dma_wait3A_50 = tpu.memref_squeeze %dma_wait3A_49 : memref<1x80x125xi32, #tpu.memory_space<hbm>> -> memref<80x125xi32, #tpu.memory_space<hbm>>
    tpu.wait_dma2 semaphore(%arg10 : memref<!tpu.dma_semaphore, #tpu.memory_space<semaphore_mem>>) src(%dma_wait3A_50 : memref<80x125xi32, #tpu.memory_space<hbm>>) dst(%arg7 : memref<80x125xi32, #tpu.memory_space<vmem>>)
    %barrier3A = arith.constant 0 : index
    tpu.barrier barrier_id(%barrier3A)
    %scan3A_51 = arith.constant 0 : i32
    %scan3A_52 = arith.constant 0 : i32
    %scan3A_53 = arith.constant 80 : i32
    %scan3A_54 = arith.addi %scan3A_52, %scan3A_53 : i32
    %scan3A_55 = arith.constant 1 : i32
    scf.for %scan3A_66 = %scan3A_52 to %scan3A_54 step %scan3A_55  : i32 {
      %dma_start3A_67 = arith.constant 0 : i32
      %dma_start3A_68 = tpu.memref_slice %arg6[%scan3A_66, %dma_start3A_67] : memref<80x125xi32, #tpu.memory_space<vmem>> -> memref<1x125xi32, #tpu.memory_space<vmem>>
      %dma_start3A_69 = tpu.memref_squeeze %dma_start3A_68 : memref<1x125xi32, #tpu.memory_space<vmem>> -> memref<125xi32, #tpu.memory_space<vmem>>
      %dma_start3A_70 = arith.constant 0 : i32
      %dma_start3A_71 = arith.constant 0 : i32
      %dma_start3A_72 = tpu.memref_slice %arg2[%dma_start3A_70, %dma_start3A_71] : memref<10000x128xf32, #tpu.memory_space<hbm>> -> memref<10000x128xf32, #tpu.memory_space<hbm>>
      tpu.enqueue_indirect_dma source(%dma_start3A_72 : memref<10000x128xf32, #tpu.memory_space<hbm>>) target(%arg8 : memref<125x128xf32, #tpu.memory_space<vmem>>) offsets(%dma_start3A_69 : memref<125xi32, #tpu.memory_space<vmem>>) semaphore(%arg10 : memref<!tpu.dma_semaphore, #tpu.memory_space<semaphore_mem>>)
      %dma_wait3A_73 = arith.constant 0 : i32
      %dma_wait3A_74 = tpu.memref_slice %arg6[%scan3A_66, %dma_wait3A_73] : memref<80x125xi32, #tpu.memory_space<vmem>> -> memref<1x125xi32, #tpu.memory_space<vmem>>
      %dma_wait3A_75 = tpu.memref_squeeze %dma_wait3A_74 : memref<1x125xi32, #tpu.memory_space<vmem>> -> memref<125xi32, #tpu.memory_space<vmem>>
      %dma_wait3A_76 = arith.constant 0 : i32
      %dma_wait3A_77 = arith.constant 0 : i32
      %dma_wait3A_78 = tpu.memref_slice %arg2[%dma_wait3A_76, %dma_wait3A_77] : memref<10000x128xf32, #tpu.memory_space<hbm>> -> memref<10000x128xf32, #tpu.memory_space<hbm>>
      tpu.wait_indirect_dma semaphore(%arg10 : memref<!tpu.dma_semaphore, #tpu.memory_space<semaphore_mem>>) src(%dma_wait3A_78 : memref<10000x128xf32, #tpu.memory_space<hbm>>) dst(%arg8 : memref<125x128xf32, #tpu.memory_space<vmem>>)
      "tpu.region"() ({
        %run_scoped3A = tpu.sem_alloc : memref<!tpu.dma_semaphore, #tpu.memory_space<semaphore_mem>>
        %dma_start3A_79 = arith.constant 0 : i32
        %dma_start3A_80 = tpu.memref_slice %arg7[%scan3A_66, %dma_start3A_79] : memref<80x125xi32, #tpu.memory_space<vmem>> -> memref<1x125xi32, #tpu.memory_space<vmem>>
        %dma_start3A_81 = tpu.memref_squeeze %dma_start3A_80 : memref<1x125xi32, #tpu.memory_space<vmem>> -> memref<125xi32, #tpu.memory_space<vmem>>
        %dma_start3A_82 = arith.constant 0 : i32
        %dma_start3A_83 = arith.constant 0 : i32
        %dma_start3A_84 = tpu.memref_slice %arg9[%dma_start3A_82, %dma_start3A_83] : memref<10000x128xf32, #tpu.memory_space<vmem_shared>> -> memref<10000x128xf32, #tpu.memory_space<vmem_shared>>
        tpu.enqueue_indirect_dma source(%arg8 : memref<125x128xf32, #tpu.memory_space<vmem>>) target(%dma_start3A_84 : memref<10000x128xf32, #tpu.memory_space<vmem_shared>>) offsets(%dma_start3A_81 : memref<125xi32, #tpu.memory_space<vmem>>) semaphore(%run_scoped3A : memref<!tpu.dma_semaphore, #tpu.memory_space<semaphore_mem>>) {add = true}
        %dma_wait3A_85 = arith.constant 0 : i32
        %dma_wait3A_86 = tpu.memref_slice %arg7[%scan3A_66, %dma_wait3A_85] : memref<80x125xi32, #tpu.memory_space<vmem>> -> memref<1x125xi32, #tpu.memory_space<vmem>>
        %dma_wait3A_87 = tpu.memref_squeeze %dma_wait3A_86 : memref<1x125xi32, #tpu.memory_space<vmem>> -> memref<125xi32, #tpu.memory_space<vmem>>
        %dma_wait3A_88 = arith.constant 0 : i32
        %dma_wait3A_89 = arith.constant 0 : i32
        %dma_wait3A_90 = tpu.memref_slice %arg9[%dma_wait3A_88, %dma_wait3A_89] : memref<10000x128xf32, #tpu.memory_space<vmem_shared>> -> memref<10000x128xf32, #tpu.memory_space<vmem_shared>>
        tpu.wait_indirect_dma semaphore(%run_scoped3A : memref<!tpu.dma_semaphore, #tpu.memory_space<semaphore_mem>>) src(%arg8 : memref<125x128xf32, #tpu.memory_space<vmem>>) dst(%dma_wait3A_90 : memref<10000x128xf32, #tpu.memory_space<vmem_shared>>)
        tpu.yield
      }) : () -> ()
    }
    %scan3A_56 = arith.constant 80 : i32
    %barrier3A_57 = arith.constant 0 : index
    tpu.barrier barrier_id(%barrier3A_57)
    %mul3A_58 = arith.constant 10000 : i32
    %mul3A_59 = arith.muli %arg0, %mul3A_58 : i32
    %add3A_60 = arith.addi %mul3A_59, %mul3A_23 : i32
    "tpu.region"() ({
      %run_scoped3A = tpu.sem_alloc : memref<!tpu.dma_semaphore, #tpu.memory_space<semaphore_mem>>
      %dma_start3A_66 = arith.constant 0 : i32
      %dma_start3A_67 = tpu.memref_slice %arg5[%add3A_60, %dma_start3A_66] : memref<20000x128xf32, #tpu.memory_space<hbm>> -> memref<624x128xf32, #tpu.memory_space<hbm>>
      %dma_start3A_68 = arith.constant 0 : i32
      %dma_start3A_69 = tpu.memref_slice %arg9[%mul3A_23, %dma_start3A_68] : memref<10000x128xf32, #tpu.memory_space<vmem_shared>> -> memref<624x128xf32, #tpu.memory_space<vmem_shared>>
      tpu.enqueue_dma source(%dma_start3A_69 : memref<624x128xf32, #tpu.memory_space<vmem_shared>>) target(%dma_start3A_67 : memref<624x128xf32, #tpu.memory_space<hbm>>) target_semaphore(%run_scoped3A : memref<!tpu.dma_semaphore, #tpu.memory_space<semaphore_mem>>)
      %dma_wait3A_70 = arith.constant 0 : i32
      %dma_wait3A_71 = tpu.memref_slice %arg5[%add3A_60, %dma_wait3A_70] : memref<20000x128xf32, #tpu.memory_space<hbm>> -> memref<624x128xf32, #tpu.memory_space<hbm>>
      %dma_wait3A_72 = arith.constant 0 : i32
      %dma_wait3A_73 = tpu.memref_slice %arg9[%mul3A_23, %dma_wait3A_72] : memref<10000x128xf32, #tpu.memory_space<vmem_shared>> -> memref<624x128xf32, #tpu.memory_space<vmem_shared>>
      tpu.wait_dma2 semaphore(%run_scoped3A : memref<!tpu.dma_semaphore, #tpu.memory_space<semaphore_mem>>) src(%dma_wait3A_73 : memref<624x128xf32, #tpu.memory_space<vmem_shared>>) dst(%dma_wait3A_71 : memref<624x128xf32, #tpu.memory_space<hbm>>)
      tpu.yield
    }) : () -> ()
    %eq3A_61 = arith.constant 15 : i32
    %eq3A_62 = arith.cmpi eq, %arg1, %eq3A_61 : i32
    %convert_element_type3A_63 = arith.extui %eq3A_62 : i1 to i32
    %cond3A_64 = arith.constant 0 : i32
    %cond3A_65 = arith.cmpi ne, %convert_element_type3A_63, %cond3A_64 : i32
    scf.if %cond3A_65 {
      %mul3A_66 = arith.constant 10000 : i32
      %mul3A_67 = arith.muli %arg0, %mul3A_66 : i32
      %add3A_68 = arith.constant 10000 : i32
      %add3A_69 = arith.addi %mul3A_67, %add3A_68 : i32
      %sub3A = arith.constant 16 : i32
      %sub3A_70 = arith.subi %add3A_69, %sub3A : i32
      "tpu.region"() ({
        %run_scoped3A = tpu.sem_alloc : memref<!tpu.dma_semaphore, #tpu.memory_space<semaphore_mem>>
        %dma_start3A_71 = arith.constant 0 : i32
        %dma_start3A_72 = tpu.memref_slice %arg5[%sub3A_70, %dma_start3A_71] : memref<20000x128xf32, #tpu.memory_space<hbm>> -> memref<16x128xf32, #tpu.memory_space<hbm>>
        %dma_start3A_73 = arith.constant 9984 : i32
        %dma_start3A_74 = arith.constant 0 : i32
        %dma_start3A_75 = tpu.memref_slice %arg9[%dma_start3A_73, %dma_start3A_74] : memref<10000x128xf32, #tpu.memory_space<vmem_shared>> -> memref<16x128xf32, #tpu.memory_space<vmem_shared>>
        tpu.enqueue_dma source(%dma_start3A_75 : memref<16x128xf32, #tpu.memory_space<vmem_shared>>) target(%dma_start3A_72 : memref<16x128xf32, #tpu.memory_space<hbm>>) target_semaphore(%run_scoped3A : memref<!tpu.dma_semaphore, #tpu.memory_space<semaphore_mem>>)
        %dma_wait3A_76 = arith.constant 0 : i32
        %dma_wait3A_77 = tpu.memref_slice %arg5[%sub3A_70, %dma_wait3A_76] : memref<20000x128xf32, #tpu.memory_space<hbm>> -> memref<16x128xf32, #tpu.memory_space<hbm>>
        %dma_wait3A_78 = arith.constant 9984 : i32
        %dma_wait3A_79 = arith.constant 0 : i32
        %dma_wait3A_80 = tpu.memref_slice %arg9[%dma_wait3A_78, %dma_wait3A_79] : memref<10000x128xf32, #tpu.memory_space<vmem_shared>> -> memref<16x128xf32, #tpu.memory_space<vmem_shared>>
        tpu.wait_dma2 semaphore(%run_scoped3A : memref<!tpu.dma_semaphore, #tpu.memory_space<semaphore_mem>>) src(%dma_wait3A_80 : memref<16x128xf32, #tpu.memory_space<vmem_shared>>) dst(%dma_wait3A_77 : memref<16x128xf32, #tpu.memory_space<hbm>>)
        tpu.yield
      }) : () -> ()
    } else {
    }
    return
  }
}

module attributes {stable_mosaic.version = 14 : i64} {
  func.func @_mm_scale_body(%arg0: i32, %arg1: memref<32x10000xf32, #tpu.memory_space<vmem>>, %arg2: memref<1000x128xf32, #tpu.memory_space<vmem>>, %arg3: memref<128x128xf32, #tpu.memory_space<vmem>>, %arg4: memref<1000x128xf32, #tpu.memory_space<vmem>>, %arg5: memref<1000x128xf32, #tpu.memory_space<vmem>>, %arg6: memref<10000x128xf32, #tpu.memory_space<vmem>>) attributes {dimension_semantics = [#tpu.dimension_semantics<arbitrary>], iteration_bounds = array<i64: 10>, scalar_prefetch = 0 : i64, scratch_operands = 1 : i64, tpu.core_type = #tpu.core_type<tc>, window_params = [{pipeline_mode = #tpu.pipeline_mode<synchronous>, transform_indices = @transform_0, window_bounds = array<i64: 32, 10000>}, {transform_indices = @transform_1, window_bounds = array<i64: 1000, 128>}, {pipeline_mode = #tpu.pipeline_mode<synchronous>, transform_indices = @transform_2, window_bounds = array<i64: 128, 128>}, {transform_indices = @transform_3, window_bounds = array<i64: 1000, 128>}, {transform_indices = @transform_4, window_bounds = array<i64: 1000, 128>}]} {
    %eq3A = arith.constant 0 : i32
    %eq3A_0 = arith.cmpi eq, %arg0, %eq3A : i32
    %convert_element_type3A = arith.extui %eq3A_0 : i1 to i32
    %cond3A = arith.constant 0 : i32
    %cond3A_1 = arith.cmpi ne, %convert_element_type3A, %cond3A : i32
    scf.if %cond3A_1 {
      %broadcast_in_dim3A = arith.constant 1.000000e+00 : f32
      %broadcast_in_dim3A_18 = vector.broadcast %broadcast_in_dim3A : f32 to vector<32x128xf32>
      %get3A_19 = arith.constant 0 : index
      %get3A_20 = arith.constant 0 : index
      %get3A_21 = vector.load %arg1[%get3A_19, %get3A_20] : memref<32x10000xf32, #tpu.memory_space<vmem>>, vector<32x10000xf32>
      %dot_general3A_22 = arith.constant dense<0.000000e+00> : vector<10000x128xf32>
      %dot_general3A_23 = tpu.matmul %get3A_21, %broadcast_in_dim3A_18, %dot_general3A_22 {dimension_numbers = #tpu.dot_dimension_numbers<[0], [0], [1], [1], [0, 1, 1, 1], [], []>, transpose_lhs_hint = false} : vector<32x10000xf32>, vector<32x128xf32>, vector<10000x128xf32> -> vector<10000x128xf32>
      %add3A = arith.constant 1.000000e+00 : f32
      %add3A_24 = vector.broadcast %add3A : f32 to vector<10000x128xf32>
      %add3A_25 = arith.addf %dot_general3A_23, %add3A_24 : vector<10000x128xf32>
      %rsqrt3A = math.rsqrt %add3A_25 : vector<10000x128xf32>
      %swap3A_26 = arith.constant 0 : index
      %swap3A_27 = arith.constant 0 : index
      %swap3A_28 = vector.load %arg6[%swap3A_26, %swap3A_27] : memref<10000x128xf32, #tpu.memory_space<vmem>>, vector<10000x128xf32>
      tpu.vector_store %arg6[%swap3A_26, %swap3A_27], %rsqrt3A {strides = array<i32>} : memref<10000x128xf32, #tpu.memory_space<vmem>>, vector<10000x128xf32>,
    } else {
    }
    %mul3A = arith.constant 1000 : i32
    %mul3A_2 = arith.muli %arg0, %mul3A : i32
    %get3A = arith.index_cast %mul3A_2 : i32 to index
    %get3A_3 = arith.constant 0 : index
    %get3A_4 = vector.load %arg6[%get3A, %get3A_3] : memref<10000x128xf32, #tpu.memory_space<vmem>>, vector<1000x128xf32>
    %swap3A = arith.constant 0 : index
    %swap3A_5 = arith.constant 0 : index
    %swap3A_6 = vector.load %arg5[%swap3A, %swap3A_5] : memref<1000x128xf32, #tpu.memory_space<vmem>>, vector<1000x128xf32>
    tpu.vector_store %arg5[%swap3A, %swap3A_5], %get3A_4 {strides = array<i32>} : memref<1000x128xf32, #tpu.memory_space<vmem>>, vector<1000x128xf32>,
    %get3A_7 = arith.constant 0 : index
    %get3A_8 = arith.constant 0 : index
    %get3A_9 = vector.load %arg2[%get3A_7, %get3A_8] : memref<1000x128xf32, #tpu.memory_space<vmem>>, vector<1000x128xf32>
    %get3A_10 = arith.constant 0 : index
    %get3A_11 = arith.constant 0 : index
    %get3A_12 = vector.load %arg3[%get3A_10, %get3A_11] : memref<128x128xf32, #tpu.memory_space<vmem>>, vector<128x128xf32>
    %dot_general3A = arith.constant dense<0.000000e+00> : vector<1000x128xf32>
    %dot_general3A_13 = tpu.matmul %get3A_9, %get3A_12, %dot_general3A {dimension_numbers = #tpu.dot_dimension_numbers<[1], [0], [0], [1], [0, 0, 1, 1], [], []>, precision = #tpu.contract_precision<fp32>, transpose_lhs_hint = false} : vector<1000x128xf32>, vector<128x128xf32>, vector<1000x128xf32> -> vector<1000x128xf32>
    %mul3A_14 = arith.mulf %dot_general3A_13, %get3A_4 : vector<1000x128xf32>
    %swap3A_15 = arith.constant 0 : index
    %swap3A_16 = arith.constant 0 : index
    %swap3A_17 = vector.load %arg4[%swap3A_15, %swap3A_16] : memref<1000x128xf32, #tpu.memory_space<vmem>>, vector<1000x128xf32>
    tpu.vector_store %arg4[%swap3A_15, %swap3A_16], %mul3A_14 {strides = array<i32>} : memref<1000x128xf32, #tpu.memory_space<vmem>>, vector<1000x128xf32>,
    return
  }
  func.func @transform_0(%arg0: i32) -> (i32, i32) {
    %c0_i32 = arith.constant 0 : i32
    %c0_i32_0 = arith.constant 0 : i32
    %c0_i32_1 = arith.constant 0 : i32
    return %c0_i32, %c0_i32_0 : i32, i32
  }
  func.func @transform_1(%arg0: i32) -> (i32, i32) {
    %c0_i32 = arith.constant 0 : i32
    %c0_i32_0 = arith.constant 0 : i32
    return %arg0, %c0_i32 : i32, i32
  }
  func.func @transform_2(%arg0: i32) -> (i32, i32) {
    %c0_i32 = arith.constant 0 : i32
    %c0_i32_0 = arith.constant 0 : i32
    %c0_i32_1 = arith.constant 0 : i32
    return %c0_i32, %c0_i32_0 : i32, i32
  }
  func.func @transform_3(%arg0: i32) -> (i32, i32) {
    %c0_i32 = arith.constant 0 : i32
    %c0_i32_0 = arith.constant 0 : i32
    return %arg0, %c0_i32 : i32, i32
  }
  func.func @transform_4(%arg0: i32) -> (i32, i32) {
    %c0_i32 = arith.constant 0 : i32
    %c0_i32_0 = arith.constant 0 : i32
    return %arg0, %c0_i32 : i32, i32
  }
}

module attributes {stable_mosaic.version = 14 : i64} {
  func.func @_comb_body(%arg0: i32, %arg1: memref<2x1000x128xf32, #tpu.memory_space<vmem>>, %arg2: memref<1000x128xf32, #tpu.memory_space<vmem>>, %arg3: memref<1000x128xf32, #tpu.memory_space<vmem>>, %arg4: memref<1x128xf32, #tpu.memory_space<vmem>>, %arg5: memref<1000x128xf32, #tpu.memory_space<vmem>>, %arg6: memref<1x128xf32, #tpu.memory_space<vmem>>, %arg7: memref<1x128xf32, #tpu.memory_space<vmem>>) attributes {dimension_semantics = [#tpu.dimension_semantics<arbitrary>], iteration_bounds = array<i64: 10>, scalar_prefetch = 0 : i64, scratch_operands = 0 : i64, tpu.core_type = #tpu.core_type<tc>, window_params = [{transform_indices = @transform_0, window_bounds = array<i64: 2, 1000, 128>}, {transform_indices = @transform_1, window_bounds = array<i64: 1000, 128>}, {transform_indices = @transform_2, window_bounds = array<i64: 1000, 128>}, {pipeline_mode = #tpu.pipeline_mode<synchronous>, transform_indices = @transform_3, window_bounds = array<i64: 1, 128>}, {transform_indices = @transform_4, window_bounds = array<i64: 1000, 128>}, {pipeline_mode = #tpu.pipeline_mode<synchronous>, transform_indices = @transform_5, window_bounds = array<i64: 1, 128>}, {pipeline_mode = #tpu.pipeline_mode<synchronous>, transform_indices = @transform_6, window_bounds = array<i64: 1, 128>}]} {
    %get3A = arith.constant 0 : index
    %get3A_0 = arith.constant 0 : index
    %get3A_1 = arith.constant 0 : index
    %get3A_2 = vector.load %arg1[%get3A, %get3A_0, %get3A_1] : memref<2x1000x128xf32, #tpu.memory_space<vmem>>, vector<1x1000x128xf32>
    %get3A_3 = vector.shape_cast %get3A_2 : vector<1x1000x128xf32> to vector<1000x128xf32>
    %get3A_4 = arith.constant 1 : index
    %get3A_5 = arith.constant 0 : index
    %get3A_6 = arith.constant 0 : index
    %get3A_7 = vector.load %arg1[%get3A_4, %get3A_5, %get3A_6] : memref<2x1000x128xf32, #tpu.memory_space<vmem>>, vector<1x1000x128xf32>
    %get3A_8 = vector.shape_cast %get3A_7 : vector<1x1000x128xf32> to vector<1000x128xf32>
    %add3A = arith.addf %get3A_3, %get3A_8 : vector<1000x128xf32>
    %get3A_9 = arith.constant 0 : index
    %get3A_10 = arith.constant 0 : index
    %get3A_11 = vector.load %arg2[%get3A_9, %get3A_10] : memref<1000x128xf32, #tpu.memory_space<vmem>>, vector<1000x128xf32>
    %add3A_12 = arith.addf %add3A, %get3A_11 : vector<1000x128xf32>
    %get3A_13 = arith.constant 0 : index
    %get3A_14 = arith.constant 0 : index
    %get3A_15 = vector.load %arg3[%get3A_13, %get3A_14] : memref<1000x128xf32, #tpu.memory_space<vmem>>, vector<1000x128xf32>
    %mul3A = arith.mulf %add3A_12, %get3A_15 : vector<1000x128xf32>
    %get3A_16 = arith.constant 0 : index
    %get3A_17 = arith.constant 0 : index
    %get3A_18 = vector.load %arg4[%get3A_16, %get3A_17] : memref<1x128xf32, #tpu.memory_space<vmem>>, vector<1x128xf32>
    %add3A_19 = vector.broadcast %get3A_18 : vector<1x128xf32> to vector<1000x128xf32>
    %add3A_20 = arith.addf %mul3A, %add3A_19 : vector<1000x128xf32>
    %swap3A = arith.constant 0 : index
    %swap3A_21 = arith.constant 0 : index
    %swap3A_22 = vector.load %arg5[%swap3A, %swap3A_21] : memref<1000x128xf32, #tpu.memory_space<vmem>>, vector<1000x128xf32>
    tpu.vector_store %arg5[%swap3A, %swap3A_21], %add3A_20 {strides = array<i32>} : memref<1000x128xf32, #tpu.memory_space<vmem>>, vector<1000x128xf32>,
    %reduce_sum3A = arith.constant dense<0.000000e+00> : vector<128xf32>
    %reduce_sum3A_23 = vector.multi_reduction <add>, %add3A_20, %reduce_sum3A [0] : vector<1000x128xf32> to vector<128xf32>
    %broadcast_in_dim3A = vector.shape_cast %reduce_sum3A_23 : vector<128xf32> to vector<1x128xf32>
    %mul3A_24 = arith.mulf %add3A_20, %add3A_20 : vector<1000x128xf32>
    %reduce_sum3A_25 = arith.constant dense<0.000000e+00> : vector<128xf32>
    %reduce_sum3A_26 = vector.multi_reduction <add>, %mul3A_24, %reduce_sum3A_25 [0] : vector<1000x128xf32> to vector<128xf32>
    %broadcast_in_dim3A_27 = vector.shape_cast %reduce_sum3A_26 : vector<128xf32> to vector<1x128xf32>
    %eq3A = arith.constant 0 : i32
    %eq3A_28 = arith.cmpi eq, %arg0, %eq3A : i32
    %convert_element_type3A = arith.extui %eq3A_28 : i1 to i32
    %cond3A = arith.constant 0 : i32
    %cond3A_29 = arith.cmpi ne, %convert_element_type3A, %cond3A : i32
    scf.if %cond3A_29 {
      %swap3A_34 = arith.constant 0 : index
      %swap3A_35 = arith.constant 0 : index
      %swap3A_36 = vector.load %arg6[%swap3A_34, %swap3A_35] : memref<1x128xf32, #tpu.memory_space<vmem>>, vector<1x128xf32>
      tpu.vector_store %arg6[%swap3A_34, %swap3A_35], %broadcast_in_dim3A {strides = array<i32>} : memref<1x128xf32, #tpu.memory_space<vmem>>, vector<1x128xf32>,
      %swap3A_37 = arith.constant 0 : index
      %swap3A_38 = arith.constant 0 : index
      %swap3A_39 = vector.load %arg7[%swap3A_37, %swap3A_38] : memref<1x128xf32, #tpu.memory_space<vmem>>, vector<1x128xf32>
      tpu.vector_store %arg7[%swap3A_37, %swap3A_38], %broadcast_in_dim3A_27 {strides = array<i32>} : memref<1x128xf32, #tpu.memory_space<vmem>>, vector<1x128xf32>,
    } else {
    }
    %ne3A = arith.constant 0 : i32
    %ne3A_30 = arith.cmpi ne, %arg0, %ne3A : i32
    %convert_element_type3A_31 = arith.extui %ne3A_30 : i1 to i32
    %cond3A_32 = arith.constant 0 : i32
    %cond3A_33 = arith.cmpi ne, %convert_element_type3A_31, %cond3A_32 : i32
    scf.if %cond3A_33 {
      %get3A_34 = arith.constant 0 : index
      %get3A_35 = arith.constant 0 : index
      %get3A_36 = vector.load %arg6[%get3A_34, %get3A_35] : memref<1x128xf32, #tpu.memory_space<vmem>>, vector<1x128xf32>
      %add3A_37 = arith.addf %get3A_36, %broadcast_in_dim3A : vector<1x128xf32>
      %swap3A_38 = arith.constant 0 : index
      %swap3A_39 = arith.constant 0 : index
      %swap3A_40 = vector.load %arg6[%swap3A_38, %swap3A_39] : memref<1x128xf32, #tpu.memory_space<vmem>>, vector<1x128xf32>
      tpu.vector_store %arg6[%swap3A_38, %swap3A_39], %add3A_37 {strides = array<i32>} : memref<1x128xf32, #tpu.memory_space<vmem>>, vector<1x128xf32>,
      %get3A_41 = arith.constant 0 : index
      %get3A_42 = arith.constant 0 : index
      %get3A_43 = vector.load %arg7[%get3A_41, %get3A_42] : memref<1x128xf32, #tpu.memory_space<vmem>>, vector<1x128xf32>
      %add3A_44 = arith.addf %get3A_43, %broadcast_in_dim3A_27 : vector<1x128xf32>
      %swap3A_45 = arith.constant 0 : index
      %swap3A_46 = arith.constant 0 : index
      %swap3A_47 = vector.load %arg7[%swap3A_45, %swap3A_46] : memref<1x128xf32, #tpu.memory_space<vmem>>, vector<1x128xf32>
      tpu.vector_store %arg7[%swap3A_45, %swap3A_46], %add3A_44 {strides = array<i32>} : memref<1x128xf32, #tpu.memory_space<vmem>>, vector<1x128xf32>,
    } else {
    }
    return
  }
  func.func @transform_0(%arg0: i32) -> (i32, i32, i32) {
    %c0_i32 = arith.constant 0 : i32
    %c0_i32_0 = arith.constant 0 : i32
    %c0_i32_1 = arith.constant 0 : i32
    return %c0_i32, %arg0, %c0_i32_0 : i32, i32, i32
  }
  func.func @transform_1(%arg0: i32) -> (i32, i32) {
    %c0_i32 = arith.constant 0 : i32
    %c0_i32_0 = arith.constant 0 : i32
    return %arg0, %c0_i32 : i32, i32
  }
  func.func @transform_2(%arg0: i32) -> (i32, i32) {
    %c0_i32 = arith.constant 0 : i32
    %c0_i32_0 = arith.constant 0 : i32
    return %arg0, %c0_i32 : i32, i32
  }
  func.func @transform_3(%arg0: i32) -> (i32, i32) {
    %c0_i32 = arith.constant 0 : i32
    %c0_i32_0 = arith.constant 0 : i32
    %c0_i32_1 = arith.constant 0 : i32
    return %c0_i32, %c0_i32_0 : i32, i32
  }
  func.func @transform_4(%arg0: i32) -> (i32, i32) {
    %c0_i32 = arith.constant 0 : i32
    %c0_i32_0 = arith.constant 0 : i32
    return %arg0, %c0_i32 : i32, i32
  }
  func.func @transform_5(%arg0: i32) -> (i32, i32) {
    %c0_i32 = arith.constant 0 : i32
    %c0_i32_0 = arith.constant 0 : i32
    %c0_i32_1 = arith.constant 0 : i32
    return %c0_i32, %c0_i32_0 : i32, i32
  }
  func.func @transform_6(%arg0: i32) -> (i32, i32) {
    %c0_i32 = arith.constant 0 : i32
    %c0_i32_0 = arith.constant 0 : i32
    %c0_i32_1 = arith.constant 0 : i32
    return %c0_i32, %c0_i32_0 : i32, i32
  }
}

module attributes {stable_mosaic.version = 14 : i64} {
  func.func @_bn_mm_body(%arg0: i32, %arg1: memref<1000x128xf32, #tpu.memory_space<vmem>>, %arg2: memref<1x128xf32, #tpu.memory_space<vmem>>, %arg3: memref<1x128xf32, #tpu.memory_space<vmem>>, %arg4: memref<1x128xf32, #tpu.memory_space<vmem>>, %arg5: memref<1x128xf32, #tpu.memory_space<vmem>>, %arg6: memref<1x128xf32, #tpu.memory_space<vmem>>, %arg7: memref<128x128xf32, #tpu.memory_space<vmem>>, %arg8: memref<1000x128xf32, #tpu.memory_space<vmem>>, %arg9: memref<1000x128xf32, #tpu.memory_space<vmem>>) attributes {dimension_semantics = [#tpu.dimension_semantics<arbitrary>], iteration_bounds = array<i64: 10>, scalar_prefetch = 0 : i64, scratch_operands = 0 : i64, tpu.core_type = #tpu.core_type<tc>, window_params = [{transform_indices = @transform_0, window_bounds = array<i64: 1000, 128>}, {pipeline_mode = #tpu.pipeline_mode<synchronous>, transform_indices = @transform_1, window_bounds = array<i64: 1, 128>}, {pipeline_mode = #tpu.pipeline_mode<synchronous>, transform_indices = @transform_2, window_bounds = array<i64: 1, 128>}, {pipeline_mode = #tpu.pipeline_mode<synchronous>, transform_indices = @transform_3, window_bounds = array<i64: 1, 128>}, {pipeline_mode = #tpu.pipeline_mode<synchronous>, transform_indices = @transform_4, window_bounds = array<i64: 1, 128>}, {pipeline_mode = #tpu.pipeline_mode<synchronous>, transform_indices = @transform_5, window_bounds = array<i64: 1, 128>}, {pipeline_mode = #tpu.pipeline_mode<synchronous>, transform_indices = @transform_6, window_bounds = array<i64: 128, 128>}, {transform_indices = @transform_7, window_bounds = array<i64: 1000, 128>}, {transform_indices = @transform_8, window_bounds = array<i64: 1000, 128>}]} {
    %get3A = arith.constant 0 : index
    %get3A_0 = arith.constant 0 : index
    %get3A_1 = vector.load %arg1[%get3A, %get3A_0] : memref<1000x128xf32, #tpu.memory_space<vmem>>, vector<1000x128xf32>
    %get3A_2 = arith.constant 0 : index
    %get3A_3 = arith.constant 0 : index
    %get3A_4 = vector.load %arg2[%get3A_2, %get3A_3] : memref<1x128xf32, #tpu.memory_space<vmem>>, vector<1x128xf32>
    %get3A_5 = arith.constant 0 : index
    %get3A_6 = arith.constant 0 : index
    %get3A_7 = vector.load %arg3[%get3A_5, %get3A_6] : memref<1x128xf32, #tpu.memory_space<vmem>>, vector<1x128xf32>
    %get3A_8 = arith.constant 0 : index
    %get3A_9 = arith.constant 0 : index
    %get3A_10 = vector.load %arg4[%get3A_8, %get3A_9] : memref<1x128xf32, #tpu.memory_space<vmem>>, vector<1x128xf32>
    %get3A_11 = arith.constant 0 : index
    %get3A_12 = arith.constant 0 : index
    %get3A_13 = vector.load %arg5[%get3A_11, %get3A_12] : memref<1x128xf32, #tpu.memory_space<vmem>>, vector<1x128xf32>
    %get3A_14 = arith.constant 0 : index
    %get3A_15 = arith.constant 0 : index
    %get3A_16 = vector.load %arg6[%get3A_14, %get3A_15] : memref<1x128xf32, #tpu.memory_space<vmem>>, vector<1x128xf32>
    %div3A = arith.constant 1.000000e+04 : f32
    %div3A_17 = vector.broadcast %div3A : f32 to vector<1x128xf32>
    %div3A_18 = arith.divf %get3A_4, %div3A_17 : vector<1x128xf32>
    %div3A_19 = arith.constant 1.000000e+04 : f32
    %div3A_20 = vector.broadcast %div3A_19 : f32 to vector<1x128xf32>
    %div3A_21 = arith.divf %get3A_7, %div3A_20 : vector<1x128xf32>
    %mul3A = arith.mulf %div3A_18, %div3A_18 : vector<1x128xf32>
    %sub3A = arith.subf %div3A_21, %mul3A : vector<1x128xf32>
    %add3A = arith.constant 9.99999974E-6 : f32
    %add3A_22 = vector.broadcast %add3A : f32 to vector<1x128xf32>
    %add3A_23 = arith.addf %sub3A, %add3A_22 : vector<1x128xf32>
    %rsqrt3A = math.rsqrt %add3A_23 : vector<1x128xf32>
    %sub3A_24 = vector.broadcast %div3A_18 : vector<1x128xf32> to vector<1000x128xf32>
    %sub3A_25 = arith.subf %get3A_1, %sub3A_24 : vector<1000x128xf32>
    %mul3A_26 = vector.broadcast %get3A_10 : vector<1x128xf32> to vector<1000x128xf32>
    %mul3A_27 = arith.mulf %mul3A_26, %sub3A_25 : vector<1000x128xf32>
    %mul3A_28 = vector.broadcast %rsqrt3A : vector<1x128xf32> to vector<1000x128xf32>
    %mul3A_29 = arith.mulf %mul3A_27, %mul3A_28 : vector<1000x128xf32>
    %add3A_30 = vector.broadcast %get3A_13 : vector<1x128xf32> to vector<1000x128xf32>
    %add3A_31 = arith.addf %mul3A_29, %add3A_30 : vector<1000x128xf32>
    %ge3A = arith.constant 0.000000e+00 : f32
    %ge3A_32 = vector.broadcast %ge3A : f32 to vector<1000x128xf32>
    %ge3A_33 = arith.cmpf oge, %add3A_31, %ge3A_32 : vector<1000x128xf32>
    %mul3A_34 = vector.broadcast %get3A_16 : vector<1x128xf32> to vector<1000x128xf32>
    %mul3A_35 = arith.mulf %mul3A_34, %add3A_31 : vector<1000x128xf32>
    %select_n3A = arith.select %ge3A_33, %add3A_31, %mul3A_35 : vector<1000x128xi1>, vector<1000x128xf32>
    %get3A_36 = arith.constant 0 : index
    %get3A_37 = arith.constant 0 : index
    %get3A_38 = vector.load %arg7[%get3A_36, %get3A_37] : memref<128x128xf32, #tpu.memory_space<vmem>>, vector<128x128xf32>
    %dot_general3A = arith.constant dense<0.000000e+00> : vector<1000x128xf32>
    %dot_general3A_39 = tpu.matmul %select_n3A, %get3A_38, %dot_general3A {dimension_numbers = #tpu.dot_dimension_numbers<[1], [0], [0], [1], [0, 0, 1, 1], [], []>, precision = #tpu.contract_precision<fp32>, transpose_lhs_hint = false} : vector<1000x128xf32>, vector<128x128xf32>, vector<1000x128xf32> -> vector<1000x128xf32>
    %get3A_40 = arith.constant 0 : index
    %get3A_41 = arith.constant 0 : index
    %get3A_42 = vector.load %arg8[%get3A_40, %get3A_41] : memref<1000x128xf32, #tpu.memory_space<vmem>>, vector<1000x128xf32>
    %mul3A_43 = arith.mulf %dot_general3A_39, %get3A_42 : vector<1000x128xf32>
    %swap3A = arith.constant 0 : index
    %swap3A_44 = arith.constant 0 : index
    %swap3A_45 = vector.load %arg9[%swap3A, %swap3A_44] : memref<1000x128xf32, #tpu.memory_space<vmem>>, vector<1000x128xf32>
    tpu.vector_store %arg9[%swap3A, %swap3A_44], %mul3A_43 {strides = array<i32>} : memref<1000x128xf32, #tpu.memory_space<vmem>>, vector<1000x128xf32>,
    return
  }
  func.func @transform_0(%arg0: i32) -> (i32, i32) {
    %c0_i32 = arith.constant 0 : i32
    %c0_i32_0 = arith.constant 0 : i32
    return %arg0, %c0_i32 : i32, i32
  }
  func.func @transform_1(%arg0: i32) -> (i32, i32) {
    %c0_i32 = arith.constant 0 : i32
    %c0_i32_0 = arith.constant 0 : i32
    %c0_i32_1 = arith.constant 0 : i32
    return %c0_i32, %c0_i32_0 : i32, i32
  }
  func.func @transform_2(%arg0: i32) -> (i32, i32) {
    %c0_i32 = arith.constant 0 : i32
    %c0_i32_0 = arith.constant 0 : i32
    %c0_i32_1 = arith.constant 0 : i32
    return %c0_i32, %c0_i32_0 : i32, i32
  }
  func.func @transform_3(%arg0: i32) -> (i32, i32) {
    %c0_i32 = arith.constant 0 : i32
    %c0_i32_0 = arith.constant 0 : i32
    %c0_i32_1 = arith.constant 0 : i32
    return %c0_i32, %c0_i32_0 : i32, i32
  }
  func.func @transform_4(%arg0: i32) -> (i32, i32) {
    %c0_i32 = arith.constant 0 : i32
    %c0_i32_0 = arith.constant 0 : i32
    %c0_i32_1 = arith.constant 0 : i32
    return %c0_i32, %c0_i32_0 : i32, i32
  }
  func.func @transform_5(%arg0: i32) -> (i32, i32) {
    %c0_i32 = arith.constant 0 : i32
    %c0_i32_0 = arith.constant 0 : i32
    %c0_i32_1 = arith.constant 0 : i32
    return %c0_i32, %c0_i32_0 : i32, i32
  }
  func.func @transform_6(%arg0: i32) -> (i32, i32) {
    %c0_i32 = arith.constant 0 : i32
    %c0_i32_0 = arith.constant 0 : i32
    %c0_i32_1 = arith.constant 0 : i32
    return %c0_i32, %c0_i32_0 : i32, i32
  }
  func.func @transform_7(%arg0: i32) -> (i32, i32) {
    %c0_i32 = arith.constant 0 : i32
    %c0_i32_0 = arith.constant 0 : i32
    return %arg0, %c0_i32 : i32, i32
  }
  func.func @transform_8(%arg0: i32) -> (i32, i32) {
    %c0_i32 = arith.constant 0 : i32
    %c0_i32_0 = arith.constant 0 : i32
    return %arg0, %c0_i32 : i32, i32
  }
}

module attributes {stable_mosaic.version = 14 : i64} {
  func.func @_bn_out_body(%arg0: i32, %arg1: memref<1000x128xf32, #tpu.memory_space<vmem>>, %arg2: memref<1x128xf32, #tpu.memory_space<vmem>>, %arg3: memref<1x128xf32, #tpu.memory_space<vmem>>, %arg4: memref<1x128xf32, #tpu.memory_space<vmem>>, %arg5: memref<1x128xf32, #tpu.memory_space<vmem>>, %arg6: memref<1x128xf32, #tpu.memory_space<vmem>>, %arg7: memref<1000x128xf32, #tpu.memory_space<vmem>>) attributes {dimension_semantics = [#tpu.dimension_semantics<arbitrary>], iteration_bounds = array<i64: 10>, scalar_prefetch = 0 : i64, scratch_operands = 0 : i64, tpu.core_type = #tpu.core_type<tc>, window_params = [{transform_indices = @transform_0, window_bounds = array<i64: 1000, 128>}, {pipeline_mode = #tpu.pipeline_mode<synchronous>, transform_indices = @transform_1, window_bounds = array<i64: 1, 128>}, {pipeline_mode = #tpu.pipeline_mode<synchronous>, transform_indices = @transform_2, window_bounds = array<i64: 1, 128>}, {pipeline_mode = #tpu.pipeline_mode<synchronous>, transform_indices = @transform_3, window_bounds = array<i64: 1, 128>}, {pipeline_mode = #tpu.pipeline_mode<synchronous>, transform_indices = @transform_4, window_bounds = array<i64: 1, 128>}, {pipeline_mode = #tpu.pipeline_mode<synchronous>, transform_indices = @transform_5, window_bounds = array<i64: 1, 128>}, {transform_indices = @transform_6, window_bounds = array<i64: 1000, 128>}]} {
    %get3A = arith.constant 0 : index
    %get3A_0 = arith.constant 0 : index
    %get3A_1 = vector.load %arg1[%get3A, %get3A_0] : memref<1000x128xf32, #tpu.memory_space<vmem>>, vector<1000x128xf32>
    %get3A_2 = arith.constant 0 : index
    %get3A_3 = arith.constant 0 : index
    %get3A_4 = vector.load %arg2[%get3A_2, %get3A_3] : memref<1x128xf32, #tpu.memory_space<vmem>>, vector<1x128xf32>
    %get3A_5 = arith.constant 0 : index
    %get3A_6 = arith.constant 0 : index
    %get3A_7 = vector.load %arg3[%get3A_5, %get3A_6] : memref<1x128xf32, #tpu.memory_space<vmem>>, vector<1x128xf32>
    %get3A_8 = arith.constant 0 : index
    %get3A_9 = arith.constant 0 : index
    %get3A_10 = vector.load %arg4[%get3A_8, %get3A_9] : memref<1x128xf32, #tpu.memory_space<vmem>>, vector<1x128xf32>
    %get3A_11 = arith.constant 0 : index
    %get3A_12 = arith.constant 0 : index
    %get3A_13 = vector.load %arg5[%get3A_11, %get3A_12] : memref<1x128xf32, #tpu.memory_space<vmem>>, vector<1x128xf32>
    %get3A_14 = arith.constant 0 : index
    %get3A_15 = arith.constant 0 : index
    %get3A_16 = vector.load %arg6[%get3A_14, %get3A_15] : memref<1x128xf32, #tpu.memory_space<vmem>>, vector<1x128xf32>
    %div3A = arith.constant 1.000000e+04 : f32
    %div3A_17 = vector.broadcast %div3A : f32 to vector<1x128xf32>
    %div3A_18 = arith.divf %get3A_4, %div3A_17 : vector<1x128xf32>
    %div3A_19 = arith.constant 1.000000e+04 : f32
    %div3A_20 = vector.broadcast %div3A_19 : f32 to vector<1x128xf32>
    %div3A_21 = arith.divf %get3A_7, %div3A_20 : vector<1x128xf32>
    %mul3A = arith.mulf %div3A_18, %div3A_18 : vector<1x128xf32>
    %sub3A = arith.subf %div3A_21, %mul3A : vector<1x128xf32>
    %add3A = arith.constant 9.99999974E-6 : f32
    %add3A_22 = vector.broadcast %add3A : f32 to vector<1x128xf32>
    %add3A_23 = arith.addf %sub3A, %add3A_22 : vector<1x128xf32>
    %rsqrt3A = math.rsqrt %add3A_23 : vector<1x128xf32>
    %sub3A_24 = vector.broadcast %div3A_18 : vector<1x128xf32> to vector<1000x128xf32>
    %sub3A_25 = arith.subf %get3A_1, %sub3A_24 : vector<1000x128xf32>
    %mul3A_26 = vector.broadcast %get3A_10 : vector<1x128xf32> to vector<1000x128xf32>
    %mul3A_27 = arith.mulf %mul3A_26, %sub3A_25 : vector<1000x128xf32>
    %mul3A_28 = vector.broadcast %rsqrt3A : vector<1x128xf32> to vector<1000x128xf32>
    %mul3A_29 = arith.mulf %mul3A_27, %mul3A_28 : vector<1000x128xf32>
    %add3A_30 = vector.broadcast %get3A_13 : vector<1x128xf32> to vector<1000x128xf32>
    %add3A_31 = arith.addf %mul3A_29, %add3A_30 : vector<1000x128xf32>
    %ge3A = arith.constant 0.000000e+00 : f32
    %ge3A_32 = vector.broadcast %ge3A : f32 to vector<1000x128xf32>
    %ge3A_33 = arith.cmpf oge, %add3A_31, %ge3A_32 : vector<1000x128xf32>
    %mul3A_34 = vector.broadcast %get3A_16 : vector<1x128xf32> to vector<1000x128xf32>
    %mul3A_35 = arith.mulf %mul3A_34, %add3A_31 : vector<1000x128xf32>
    %select_n3A = arith.select %ge3A_33, %add3A_31, %mul3A_35 : vector<1000x128xi1>, vector<1000x128xf32>
    %swap3A = arith.constant 0 : index
    %swap3A_36 = arith.constant 0 : index
    %swap3A_37 = vector.load %arg7[%swap3A, %swap3A_36] : memref<1000x128xf32, #tpu.memory_space<vmem>>, vector<1000x128xf32>
    tpu.vector_store %arg7[%swap3A, %swap3A_36], %select_n3A {strides = array<i32>} : memref<1000x128xf32, #tpu.memory_space<vmem>>, vector<1000x128xf32>,
    return
  }
  func.func @transform_0(%arg0: i32) -> (i32, i32) {
    %c0_i32 = arith.constant 0 : i32
    %c0_i32_0 = arith.constant 0 : i32
    return %arg0, %c0_i32 : i32, i32
  }
  func.func @transform_1(%arg0: i32) -> (i32, i32) {
    %c0_i32 = arith.constant 0 : i32
    %c0_i32_0 = arith.constant 0 : i32
    %c0_i32_1 = arith.constant 0 : i32
    return %c0_i32, %c0_i32_0 : i32, i32
  }
  func.func @transform_2(%arg0: i32) -> (i32, i32) {
    %c0_i32 = arith.constant 0 : i32
    %c0_i32_0 = arith.constant 0 : i32
    %c0_i32_1 = arith.constant 0 : i32
    return %c0_i32, %c0_i32_0 : i32, i32
  }
  func.func @transform_3(%arg0: i32) -> (i32, i32) {
    %c0_i32 = arith.constant 0 : i32
    %c0_i32_0 = arith.constant 0 : i32
    %c0_i32_1 = arith.constant 0 : i32
    return %c0_i32, %c0_i32_0 : i32, i32
  }
  func.func @transform_4(%arg0: i32) -> (i32, i32) {
    %c0_i32 = arith.constant 0 : i32
    %c0_i32_0 = arith.constant 0 : i32
    %c0_i32_1 = arith.constant 0 : i32
    return %c0_i32, %c0_i32_0 : i32, i32
  }
  func.func @transform_5(%arg0: i32) -> (i32, i32) {
    %c0_i32 = arith.constant 0 : i32
    %c0_i32_0 = arith.constant 0 : i32
    %c0_i32_1 = arith.constant 0 : i32
    return %c0_i32, %c0_i32_0 : i32, i32
  }
  func.func @transform_6(%arg0: i32) -> (i32, i32) {
    %c0_i32 = arith.constant 0 : i32
    %c0_i32_0 = arith.constant 0 : i32
    return %arg0, %c0_i32 : i32, i32
  }
}

</mosaic_0001>

<sc_bundles>
// kernel: kernel.10.cloned.1.call-start
scs
__scs_entry_jumppad:
0x0: {  	(pc) =	sbr.rel $0x88, $3  }
0x1: {  	(tag) =	ssettag $0x0;
	lr =	simm.s32 $0x1  }
0x2: {  	[smem:$0x3F95] =	sst lr;
	_ =	strace $0xD0000000  }
0x3: {  	_ = 	snop  }
0x4: {  	_ = 	snop  }
0x5: {  	_ = 	snop  }
0x6: {  	_ = 	snop  }
0x7: {  	_ = 	snop  }
__scs_overlays_trampoline_lowered:
0x8: {  	[smem:$0x3FA4] =	sst s0  }
0x9: {  	[smem:$0x3FA5] =	sst s1  }
0xa: {  	[smem:$0x3FA6] =	sst s2  }
0xb: {  	[smem:$0x3FA7] =	sst s3  }
0xc: {  	[smem:$0x3FA8] =	sst s4  }
0xd: {  	[smem:$0x3FA9] =	sst s5  }
0xe: {  	[smem:$0x3FAA] =	sst s6  }
0xf: {  	[smem:$0x3FAB] =	sst s7  }
0x10: {  	[smem:$0x3FAC] =	sst s8  }
0x11: {  	[smem:$0x3FAD] =	sst s9;
	s0 =	simm.s32 @!p0 $0x0  }
0x12: {  	s1 =	sld [smem:$0x3F93];
	s0 =	simm.s32 @p0 $0x1  }
0x13: {  	[smem:$0x3FAE] =	sst s0;
	s0 =	simm.s32 @!p1 $0x0  }
0x14: {  	s2 =	sld [smem:$0x3F92];
	s0 =	simm.s32 @p1 $0x1  }
0x15: {  	[smem:$0x3FAF] =	sst s0;
	s0 =	simm.s32 @!p2 $0x0  }
0x16: {  	s3 =	sld [smem:$0x3FDB];
	s0 =	simm.s32 @p2 $0x1  }
0x17: {  	s4 =	simm.s32 $0x1BF5;
	[smem:$0x3FB1] =	sst s0  }
0x18: {  	s0 =	sld [smem:$0x3F94];
	_ =	swait.ge [sflag:s4], $0x0  }
0x19: {  	s7 =	sld [smem:$0x3F95]  }
0x1a: {  	s8 =	sadd.s32 $0xFFFFE003, lr  }
0x1b: {  	s9 =	sadd.s32 $0xFFFFFEF7, lr;
	s5 =	simm.s32 $0xFFFFFFFF;
	p2 =	slt.u32 s8, $0xFFFFF086  }
0x1c: {  	p1 =	slt.u32 s9, $0xF7A;
	s5 =	simm.s32 @!p2 $0x0  }
0x1d: {  	s5 =	simm.s32 @p1 $0x1;
	p0 =	seq.s32 s7, s2  }
0x1e: {  	s7 =	smul.u32 @!p0 $0xF7A, s2;
	p2 =	seq.s32 @!p0 s5, $0x0  }
0x1f: {  	s9 =	smul.u32 $0xF7A, s1;
	s8 =	simm.s32 @!p0 $0x1BF5;
	p2 =	por !p2, p0  }
0x20: {  	[sflag:s8] =	ssyncset.s32 @!p0 $0xFFFFF086;
	s6 =	sadd.s32 @!p0 s3, s7;
	s7 =	simm.s32 @!p0 $0x108  }
0x21: {  	s3 =	sadd.s32 s3, s9;
	s6 =	sadd.s32 @!p0 $0x88, s6;
	s7 =	simm.s32 @p2 $0x1082  }
0x22: {  	[simem:s7], [sflag:s8] =	dma.local @!p0 [hbm:s6], $0xF7A  }
0x23: {  	s9 =	sor.u32 $0xD0000000, s2;
	s6 =	simm.s32 $0x108;
	_ =	swait.ge @!p0 [sflag:s8], $0x0  }
0x24: {  	s3 =	sadd.s32 $0x88, s3;
	s6 =	simm.s32 @!p1 $0x1082;
	[sflag:s4] =	ssyncset.s32 $0xFFFFF086  }
0x25: {  	[simem:s6], [sflag:s4] =	dma.local [hbm:s3], $0xF7A  }
0x26: {  	[smem:$0x3F95] =	sst s1;
	(tag) =	ssettag s2;
	_ =	strace s9  }
0x27: {  	s1 =	sld [smem:$0x3FA5]  }
0x28: {  	s2 =	sld [smem:$0x3FA6]  }
0x29: {  	s4 =	sld [smem:$0x3FA8]  }
0x2a: {  	p0 =	seq.s32 s5, $0x0;
	s5 =	sld [smem:$0x3FA9]  }
0x2b: {  	s6 =	sld [smem:$0x3FAA]  }
0x2c: {  	s7 =	sld [smem:$0x3FAB]  }
0x2d: {  	s3 =	simm.s32 $0x108;
	s8 =	sld [smem:$0x3FAC]  }
0x2e: {  	s3 =	simm.s32 @!p0 $0x1082;
	s9 =	sld [smem:$0x3FAD]  }
0x2f: {  	lr =	sadd.s32 s0, s3;
	s0 =	sld [smem:$0x3FA4]  }
0x30: {  	s3 =	sld [smem:$0x3FA7]  }
0x31: {  	[smem:$0x3FB0] =	sst s10  }
0x32: {  	s10 =	sld [smem:$0x3FAE];
	_ =	sdelay $0x3  }
0x33: {  	p0 =	seq.s32 s10, $0x1;
	s10 =	sld [smem:$0x3FB0];
	_ =	sdelay $0x3  }
0x34: {  	[smem:$0x3FB0] =	sst s10  }
0x35: {  	s10 =	sld [smem:$0x3FAF];
	_ =	sdelay $0x3  }
0x36: {  	p1 =	seq.s32 s10, $0x1;
	s10 =	sld [smem:$0x3FB0];
	_ =	sdelay $0x3  }
0x37: {  	[smem:$0x3FB0] =	sst s10  }
0x38: {  	s10 =	sld [smem:$0x3FB1]  }
0x39: {  	_ = 	snop;
	(pc) =	sbr.ind lr, $3  }
0x3a: {  	_ = 	snop  }
0x3b: {  	_ = 	snop  }
0x3c: {  	p2 =	seq.s32 s10, $0x1;
	s10 =	sld [smem:$0x3FB0]  }
0x3d: {  	_ =	shalt  }
0x3e: {  	_ =	shalt  }
0x3f: {  	_ =	shalt  }
0x40: {  	_ =	shalt  }
0x41: {  	_ =	shalt  }
0x42: {  	_ =	shalt  }
0x43: {  	_ =	shalt  }
0x44: {  	_ =	shalt  }
0x45: {  	_ =	shalt  }
0x46: {  	_ =	shalt  }
0x47: {  	_ =	shalt  }
0x48: {  	_ =	shalt  }
0x49: {  	_ =	shalt  }
0x4a: {  	_ =	shalt  }
0x4b: {  	_ =	shalt  }
0x4c: {  	_ =	shalt  }
0x4d: {  	_ =	shalt  }
0x4e: {  	_ =	shalt  }
0x4f: {  	_ =	shalt  }
0x50: {  	_ =	shalt  }
0x51: {  	_ =	shalt  }
0x52: {  	_ =	shalt  }
0x53: {  	_ =	shalt  }
0x54: {  	_ =	shalt  }
0x55: {  	_ =	shalt  }
0x56: {  	_ =	shalt  }
0x57: {  	_ =	shalt  }
0x58: {  	_ =	shalt  }
0x59: {  	_ =	shalt  }
0x5a: {  	_ =	shalt  }
0x5b: {  	_ =	shalt  }
0x5c: {  	_ =	shalt  }
0x5d: {  	_ =	shalt  }
0x5e: {  	_ =	shalt  }
0x5f: {  	_ =	shalt  }
0x60: {  	_ =	shalt  }
0x61: {  	_ =	shalt  }
0x62: {  	_ =	shalt  }
0x63: {  	_ =	shalt  }
0x64: {  	_ =	shalt  }
0x65: {  	_ =	shalt  }
0x66: {  	_ =	shalt  }
0x67: {  	_ =	shalt  }
0x68: {  	_ =	shalt  }
0x69: {  	_ =	shalt  }
0x6a: {  	_ =	shalt  }
0x6b: {  	_ =	shalt  }
0x6c: {  	_ =	shalt  }
0x6d: {  	_ =	shalt  }
0x6e: {  	_ =	shalt  }
0x6f: {  	_ =	shalt  }
0x70: {  	_ =	shalt  }
0x71: {  	_ =	shalt  }
0x72: {  	_ =	shalt  }
0x73: {  	_ =	shalt  }
0x74: {  	_ =	shalt  }
0x75: {  	_ =	shalt  }
0x76: {  	_ =	shalt  }
0x77: {  	_ =	shalt  }
0x78: {  	_ =	shalt  }
0x79: {  	_ =	shalt  }
0x7a: {  	_ =	shalt  }
0x7b: {  	_ =	shalt  }
0x7c: {  	_ =	shalt  }
0x7d: {  	_ =	shalt  }
0x7e: {  	_ =	shalt  }
0x7f: {  	_ =	shalt  }
0x80: {  	_ =	shalt  }
0x81: {  	_ =	shalt  }
0x82: {  	_ =	shalt  }
0x83: {  	_ =	shalt  }
0x84: {  	_ =	shalt  }
0x85: {  	_ =	shalt  }
0x86: {  	_ =	shalt  }
0x87: {  	_ =	shalt  }
.Lfunc_end0:
.L_simem_size_0:
called_computation_lowered:
.L_overlay_start_0:
0x88: {  	s2 =	sld [smem:$0x3FD9]  }
0x89: {  	s3 =	sld [smem:$0x3FFE];
	_ =	sdelay $0x1  }
0x8a: {  	s1 =	srdreg.scid  }
0x8b: {  	s0 =	sand.u32 $0x1, s1  }
0x8c: {  	s17 =	sshll.u32 s0, $0xA;
	s2 =	sadd.s32 s3, s2  }
0x8d: {  	s2 =	sadd.s32 s2, s17  }
0x8e: {  	[smem:$0x3FBC] =	sst s2  }
0x8f: {  	_ = 	snop  }
0x90: {  	s2 =	sld [smem:$0x3FD0];
	(tm) =	ssettm $0x1  }
0x91: {  	s18 =	sld [smem:$0x3FFB];
	_ =	sdelay $0x3  }
0x92: {  	_ =	strace s18  }
0x93: {  	s3 =	sld [smem:$0x3FFC];
	_ =	sdelay $0x3  }
0x94: {  	_ =	strace s3  }
0x95: {  	s3 =	sld [smem:$0x3FFD];
	_ =	sdelay $0x3  }
0x96: {  	_ =	strace s3  }
0x97: {  	_ =	strace $0x8FFFFFFF  }
0x98: {  	s19 =	sld [smem:$0x3FDB];
	_ =	sdelay $0x1  }
0x99: {  	s4 =	simm.s32 $_scs_section_size  }
0x9a: {  	s5 =	simm.s32 $_size__tile_overlayer_lowered;
	s6 =	simm.s32 $_tile_overlayer_lowered  }
0x9b: {  	s22 =	simm.s32 $0x1BFF;
	s21 =	sshll.u32 s6, $0x1;
	s3 =	sadd.s32 s4, s19  }
0x9c: {  	s7 =	simm.s32 $0x0;
	s20 =	sshll.u32 s5, $0x1;
	s5 =	sadd.s32 s21, s3  }
0x9d: {  	[timem:s7], [sflag:s22] =	dma.local [hbm:s5], s20  }
0x9e: {  	_ =	swait.ge [sflag:s22], s20  }
0x9f: {  	s4 =	ssub.s32 $0x0, s20;
	[sflag:s22] =	ssyncset.done $0x0  }
0xa0: {  	[sflag:s22] =	ssyncadd.s32 s4;
	_ =	sdelay $0x1  }
0xa1: {  	s23 =	simm.s32 $0x1B8B  }
0xa2: {  	_ =	swait.ge [sflag:s23], $0x1  }
0xa3: {  	[sflag:s23] =	ssyncset.done $0x0  }
0xa4: {  	s25 =	simm.s32 $0x1B8E;
	s24 =	sld [smem:$0x3FFE];
	[sflag:s23] =	ssyncadd.s32 $0xFFFFFFFF  }
0xa5: {  	s26 =	simm.s32 $execute0_lowered;
	[smem:$0x3FD2] =	sst s25  }
0xa6: {  	s5 =	sshll.u32 s26, $0x1;
	_ =	strace $0x80000046;
	[dreg:$0x1] =	wrdreg $0xFFFFFFFF  }
0xa7: {  	s28 =	simm.s32 $_size_execute0_lowered;
	s3 =	sadd.s32 s3, s5;
	[dreg:$0x0] =	wrdreg $0x0  }
0xa8: {  	s5 =	sshll.u32 s28, $0x1;
	[dreg:$0x2] =	wrdreg s3  }
0xa9: {  	[dreg:$0x3] =	wrdreg s5  }
0xaa: {  	[dreg:$0x4] =	wrdreg $0xC0  }
0xab: {  	_ =	task [dreg:s7], $0x5FFFF  }
0xac: {  	[dreg:$0x1] =	wrdreg $0xFFFFFFFF  }
0xad: {  	[dreg:$0x0] =	wrdreg $0x60  }
0xae: {  	[dreg:$0x2] =	wrdreg s2  }
0xaf: {  	[dreg:$0x3] =	wrdreg s24  }
0xb0: {  	[dreg:$0x4] =	wrdreg $0x9  }
0xb1: {  	_ =	task.clear_ibuf [dreg:s7], $0x5FFFF;
	_ =	strace $0x90000046  }
0xb2: {  	s29 =	simm.s32 $0x9;
	_ =	strace $0x80000048  }
0xb3: {  	_ =	swait.ge [sflag:s29], $0x1  }
0xb4: {  	[sflag:s29] =	ssyncadd.s32 $0xFFFFFFFF  }
0xb5: {  	_ =	strace $0x90000048  }
0xb6: {  	_ =	sfence  }
0xb7: {  	s30 =	sld [smem:$0x0];
	_ =	sdelay $0x2  }
0xb8: {  	s31 =	sshll.u32 s1, $0xD;
	s1 =	sshrl.u32 s1, $0x2  }
0xb9: {  	s3 =	sand.u32 $0x4000, s31;
	s1 =	sadd.s32 s1, s30  }
0xba: {  	s0 =	sor.u32 s3, s0;
	s1 =	sshll.u32 s1, $0x11  }
0xbb: {  	s0 =	sor.u32 s1, s0  }
0xbc: {  	s0 =	sadd.s32 $0x8F2B, s0  }
0xbd: {  	[sflag:s0] =	ssyncadd.remote.s32 $0x1  }
0xbe: {  	_ =	sfence.sel $0xFFFF  }
0xbf: {  	[dreg:$0x0] =	wrdreg $0xFFFFFFFF;
	(pc) =	sbr.abs _section_cstart, $3  }
0xc0: {  	[dreg:$0x1] =	wrdreg $0xFFFFFFFF  }
0xc1: {  	_ =	task.clear_ibuf [dreg:s7], $0x2FFFF;
	_ =	strace $0x9FFFFFFF  }
0xc2: {  	(tm) =	ssettm $0x7FFFFFFF  }
0xc3: {  	_ =	shalt  }
tec
execute0_lowered:
.L_overlay_start_1:
0x0: {  	(tag) =	ssettag $0x1  }
0x1: {  	s3 =	rddreg [dreg:$0x0]  }
0x2: {  	s0 =	srdreg.scid;
	s5 =	rddreg [dreg:$0x1]  }
0x3: {  	s1 =	stileid.u32;
	s2 =	simm.s32 $0x0;
	s4 =	sand.u32 $0x1, s0  }
0x4: {  	s9 =	simm.s32 $0x0;
	s0 =	rddreg [dreg:$0x2];
	s6 =	sshll.u32 s4, $0x4  }
0x5: {  	[smem:$0x7FF] =	sst s2;
	s4 =	ssub.s32 $0x2, s4;
	s6 =	sor.u32 s1, s6  }
0x6: {  	_ =	strace $0x80000047;
	s8 =	sshrl.u32 s4, $0x1;
	s7 =	smul.u32 $0x4E2, s6  }
0x7: {  	s6 =	sshll.u32 s6, $0xB;
	s31 =	ssub.s32 s4, s8;
	s8 =	simm.s32 $0x2  }
0x8: {  	s3 =	sadd.s32 s3, s6;
	s6 =	simm.s32 $0x1;
	s5 =	sadd.s32 s7, s5  }
0x9: {  	v0 =	vimm.f32 $0.0e+00;
	v1 =	vimm.f32 $1.000000000e+00;
	s7 =	simm.s32 $0x4000;
	s4 =	sadd.s32 $0x3000, s5;
	s5 =	smax.u32 s31, $0x1  }
.LBB2_1:
0xa: {  	[tilespmem:s2], [sflag:$0x1] =	stream.linear.gather [hbm4b:s3+s2], $0x3E80, $0x38;
	[tilespmem:$0x6780] =	vst v63  }
0xb: {  	_ =	swait.ge [sflag:s6], $0x3E80  }
0xc: {  	[sflag:s6] =	ssyncset.done $0x0  }
0xd: {  	s10 =	simm.s32 $0x0;
	[sflag:s6] =	ssyncadd.s32 $0xFFFFC180  }
.LBB2_2:
0xe: {  	p0 =	sne.s32 s10, $0x9C00  }
.Ltmp0:
0xf: {  	_ = 	snop;
	(pc) =	sbr.rel @p0 .LBB2_2-.Ltmp0, $3  }
0x10: {  	_ =	sdelay $0x1  }
0x11: {  	s11 =	sshra.s32 s10, $0x2  }
0x12: {  	s10 =	sadd.s32 $0x40, s10;
	[tilespmem:s11+$0x4000] =	vst v0  }
0x13: {  	s10 =	simm.s32 $0x0  }
.LBB2_4:
0x14: {  	s11 =	sshra.s32 s10, $0x2  }
0x15: {  	v2 =	vld [tilespmem:s11+$0x0];
	_ =	sdelay $0x7  }
0x16: {  	[tilespmem:v2+s7+$0x0] =	vst.idx.add.f32.msk $0xffff, v1  }
0x17: {  	v2 =	vld [tilespmem:s11+$0x10];
	_ =	sdelay $0x7  }
0x18: {  	[tilespmem:v2+s7+$0x0] =	vst.idx.add.f32.msk $0xffff, v1  }
0x19: {  	v2 =	vld [tilespmem:s11+$0x20];
	_ =	sdelay $0x7  }
0x1a: {  	[tilespmem:v2+s7+$0x0] =	vst.idx.add.f32.msk $0xffff, v1  }
0x1b: {  	v2 =	vld [tilespmem:s11+$0x30];
	_ =	sdelay $0x7  }
0x1c: {  	[tilespmem:v2+s7+$0x0] =	vst.idx.add.f32.msk $0xffff, v1  }
0x1d: {  	v2 =	vld [tilespmem:s11+$0x40];
	_ =	sdelay $0x2  }
0x1e: {  	p0 =	sne.s32 s10, $0xF800  }
.Ltmp1:
0x1f: {  	_ = 	snop;
	(pc) =	sbr.rel @p0 .LBB2_4-.Ltmp1, $2  }
0x20: {  	_ =	sdelay $0x2  }
0x21: {  	s10 =	sadd.s32 $0x200, s10;
	[tilespmem:v2+s7+$0x0] =	vst.idx.add.f32.msk $0xffff, v1  }
0x22: {  	s9 =	sadd.s32 $0x1, s9  }
0x23: {  	p0 =	sne.s32 s9, s5  }
.Ltmp2:
0x24: {  	_ = 	snop;
	(pc) =	sbr.rel @p0 .LBB2_1-.Ltmp2, $4  }
0x25: {  	[hbm4b:s4+s2] =	stream.linear.scatter [tilespmem:s7], [sflag:$0x2], $0x2710, $0x38;
	[tilespmem:$0x6780] =	vst v63  }
0x26: {  	_ =	swait.ge [sflag:s8], $0x2710  }
0x27: {  	[sflag:s8] =	ssyncset.done $0x0  }
0x28: {  	[sflag:s8] =	ssyncadd.s32 $0xFFFFD8F0  }
0x29: {  	_ =	sfence.sel $0x180000  }
0x2a: {  	[bflag:$0x0] =	sbarrier.arrive $0xFFFF  }
0x2b: {  	p0 =	sne.s32 s1, $0x0;
	_ =	strace $0x90000047  }
0x2c: {  	s0 =	sadd.s32 @!p0 $0x100000, s0;
	[bflag:$0x2] =	sbarrier.arrive $0xFFFF  }
0x2d: {  	[sflag:s0] =	ssyncadd.tile.s32 @!p0 $0x1;
	_ =	shalt  }
.Lfunc_end2:
_tile_overlayer_lowered:
.L_overlay_start_2:
0x2e: {  	(tag) =	ssettag $0x2  }
0x2f: {  	s0 =	rddreg [dreg:$0x0];
	s2 =	stileid.u32  }
0x30: {  	s1 =	rddreg [dreg:$0x1];
	p0 =	sne.s32 s2, $0x0  }
0x31: {  	s3 =	rddreg [dreg:$0x2];
	[bflag:$0x3] =	sbarrier.arrive $0xFFFF;
	s2 =	simm.s32 @!p0 $0x1C02  }
0x32: {  	[timem:s3], [sflag:s2] =	dma.local @!p0 [hbm:s0], s1  }
0x33: {  	s0 =	simm.s32 @!p0 $0x2  }
0x34: {  	_ =	swait.ge @!p0 [sflag:s0], s1  }
0x35: {  	s1 =	ssub.s32 @!p0 $0x0, s1;
	[sflag:s0] =	ssyncset.done @!p0 $0x0  }
0x36: {  	[sflag:s0] =	ssyncadd.s32 @!p0 s1  }
0x37: {  	[bflag:$0x3] =	sbarrier.arrive $0xFFFF  }
0x38: {  	_ =	shalt  }

// kernel: kernel.13.cloned.1.call-start
scs
__scs_entry_jumppad:
0x0: {  	(pc) =	sbr.rel $0x88, $3  }
0x1: {  	(tag) =	ssettag $0x0;
	lr =	simm.s32 $0x1  }
0x2: {  	[smem:$0x3F95] =	sst lr;
	_ =	strace $0xD0000000  }
0x3: {  	_ = 	snop  }
0x4: {  	_ = 	snop  }
0x5: {  	_ = 	snop  }
0x6: {  	_ = 	snop  }
0x7: {  	_ = 	snop  }
__scs_overlays_trampoline_lowered:
0x8: {  	[smem:$0x3FA4] =	sst s0  }
0x9: {  	[smem:$0x3FA5] =	sst s1  }
0xa: {  	[smem:$0x3FA6] =	sst s2  }
0xb: {  	[smem:$0x3FA7] =	sst s3  }
0xc: {  	[smem:$0x3FA8] =	sst s4  }
0xd: {  	[smem:$0x3FA9] =	sst s5  }
0xe: {  	[smem:$0x3FAA] =	sst s6  }
0xf: {  	[smem:$0x3FAB] =	sst s7  }
0x10: {  	[smem:$0x3FAC] =	sst s8  }
0x11: {  	[smem:$0x3FAD] =	sst s9;
	s0 =	simm.s32 @!p0 $0x0  }
0x12: {  	s1 =	sld [smem:$0x3F93];
	s0 =	simm.s32 @p0 $0x1  }
0x13: {  	[smem:$0x3FAE] =	sst s0;
	s0 =	simm.s32 @!p1 $0x0  }
0x14: {  	s2 =	sld [smem:$0x3F92];
	s0 =	simm.s32 @p1 $0x1  }
0x15: {  	[smem:$0x3FAF] =	sst s0;
	s0 =	simm.s32 @!p2 $0x0  }
0x16: {  	s3 =	sld [smem:$0x3FDB];
	s0 =	simm.s32 @p2 $0x1  }
0x17: {  	s4 =	simm.s32 $0x1BF5;
	[smem:$0x3FB1] =	sst s0  }
0x18: {  	s0 =	sld [smem:$0x3F94];
	_ =	swait.ge [sflag:s4], $0x0  }
0x19: {  	s7 =	sld [smem:$0x3F95]  }
0x1a: {  	s8 =	sadd.s32 $0xFFFFE003, lr  }
0x1b: {  	s9 =	sadd.s32 $0xFFFFFEF7, lr;
	s5 =	simm.s32 $0xFFFFFFFF;
	p2 =	slt.u32 s8, $0xFFFFF086  }
0x1c: {  	p1 =	slt.u32 s9, $0xF7A;
	s5 =	simm.s32 @!p2 $0x0  }
0x1d: {  	s5 =	simm.s32 @p1 $0x1;
	p0 =	seq.s32 s7, s2  }
0x1e: {  	s7 =	smul.u32 @!p0 $0xF7A, s2;
	p2 =	seq.s32 @!p0 s5, $0x0  }
0x1f: {  	s9 =	smul.u32 $0xF7A, s1;
	s8 =	simm.s32 @!p0 $0x1BF5;
	p2 =	por !p2, p0  }
0x20: {  	[sflag:s8] =	ssyncset.s32 @!p0 $0xFFFFF086;
	s6 =	sadd.s32 @!p0 s3, s7;
	s7 =	simm.s32 @!p0 $0x108  }
0x21: {  	s3 =	sadd.s32 s3, s9;
	s6 =	sadd.s32 @!p0 $0x88, s6;
	s7 =	simm.s32 @p2 $0x1082  }
0x22: {  	[simem:s7], [sflag:s8] =	dma.local @!p0 [hbm:s6], $0xF7A  }
0x23: {  	s9 =	sor.u32 $0xD0000000, s2;
	s6 =	simm.s32 $0x108;
	_ =	swait.ge @!p0 [sflag:s8], $0x0  }
0x24: {  	s3 =	sadd.s32 $0x88, s3;
	s6 =	simm.s32 @!p1 $0x1082;
	[sflag:s4] =	ssyncset.s32 $0xFFFFF086  }
0x25: {  	[simem:s6], [sflag:s4] =	dma.local [hbm:s3], $0xF7A  }
0x26: {  	[smem:$0x3F95] =	sst s1;
	(tag) =	ssettag s2;
	_ =	strace s9  }
0x27: {  	s1 =	sld [smem:$0x3FA5]  }
0x28: {  	s2 =	sld [smem:$0x3FA6]  }
0x29: {  	s4 =	sld [smem:$0x3FA8]  }
0x2a: {  	p0 =	seq.s32 s5, $0x0;
	s5 =	sld [smem:$0x3FA9]  }
0x2b: {  	s6 =	sld [smem:$0x3FAA]  }
0x2c: {  	s7 =	sld [smem:$0x3FAB]  }
0x2d: {  	s3 =	simm.s32 $0x108;
	s8 =	sld [smem:$0x3FAC]  }
0x2e: {  	s3 =	simm.s32 @!p0 $0x1082;
	s9 =	sld [smem:$0x3FAD]  }
0x2f: {  	lr =	sadd.s32 s0, s3;
	s0 =	sld [smem:$0x3FA4]  }
0x30: {  	s3 =	sld [smem:$0x3FA7]  }
0x31: {  	[smem:$0x3FB0] =	sst s10  }
0x32: {  	s10 =	sld [smem:$0x3FAE];
	_ =	sdelay $0x3  }
0x33: {  	p0 =	seq.s32 s10, $0x1;
	s10 =	sld [smem:$0x3FB0];
	_ =	sdelay $0x3  }
0x34: {  	[smem:$0x3FB0] =	sst s10  }
0x35: {  	s10 =	sld [smem:$0x3FAF];
	_ =	sdelay $0x3  }
0x36: {  	p1 =	seq.s32 s10, $0x1;
	s10 =	sld [smem:$0x3FB0];
	_ =	sdelay $0x3  }
0x37: {  	[smem:$0x3FB0] =	sst s10  }
0x38: {  	s10 =	sld [smem:$0x3FB1]  }
0x39: {  	_ = 	snop;
	(pc) =	sbr.ind lr, $3  }
0x3a: {  	_ = 	snop  }
0x3b: {  	_ = 	snop  }
0x3c: {  	p2 =	seq.s32 s10, $0x1;
	s10 =	sld [smem:$0x3FB0]  }
0x3d: {  	_ =	shalt  }
0x3e: {  	_ =	shalt  }
0x3f: {  	_ =	shalt  }
0x40: {  	_ =	shalt  }
0x41: {  	_ =	shalt  }
0x42: {  	_ =	shalt  }
0x43: {  	_ =	shalt  }
0x44: {  	_ =	shalt  }
0x45: {  	_ =	shalt  }
0x46: {  	_ =	shalt  }
0x47: {  	_ =	shalt  }
0x48: {  	_ =	shalt  }
0x49: {  	_ =	shalt  }
0x4a: {  	_ =	shalt  }
0x4b: {  	_ =	shalt  }
0x4c: {  	_ =	shalt  }
0x4d: {  	_ =	shalt  }
0x4e: {  	_ =	shalt  }
0x4f: {  	_ =	shalt  }
0x50: {  	_ =	shalt  }
0x51: {  	_ =	shalt  }
0x52: {  	_ =	shalt  }
0x53: {  	_ =	shalt  }
0x54: {  	_ =	shalt  }
0x55: {  	_ =	shalt  }
0x56: {  	_ =	shalt  }
0x57: {  	_ =	shalt  }
0x58: {  	_ =	shalt  }
0x59: {  	_ =	shalt  }
0x5a: {  	_ =	shalt  }
0x5b: {  	_ =	shalt  }
0x5c: {  	_ =	shalt  }
0x5d: {  	_ =	shalt  }
0x5e: {  	_ =	shalt  }
0x5f: {  	_ =	shalt  }
0x60: {  	_ =	shalt  }
0x61: {  	_ =	shalt  }
0x62: {  	_ =	shalt  }
0x63: {  	_ =	shalt  }
0x64: {  	_ =	shalt  }
0x65: {  	_ =	shalt  }
0x66: {  	_ =	shalt  }
0x67: {  	_ =	shalt  }
0x68: {  	_ =	shalt  }
0x69: {  	_ =	shalt  }
0x6a: {  	_ =	shalt  }
0x6b: {  	_ =	shalt  }
0x6c: {  	_ =	shalt  }
0x6d: {  	_ =	shalt  }
0x6e: {  	_ =	shalt  }
0x6f: {  	_ =	shalt  }
0x70: {  	_ =	shalt  }
0x71: {  	_ =	shalt  }
0x72: {  	_ =	shalt  }
0x73: {  	_ =	shalt  }
0x74: {  	_ =	shalt  }
0x75: {  	_ =	shalt  }
0x76: {  	_ =	shalt  }
0x77: {  	_ =	shalt  }
0x78: {  	_ =	shalt  }
0x79: {  	_ =	shalt  }
0x7a: {  	_ =	shalt  }
0x7b: {  	_ =	shalt  }
0x7c: {  	_ =	shalt  }
0x7d: {  	_ =	shalt  }
0x7e: {  	_ =	shalt  }
0x7f: {  	_ =	shalt  }
0x80: {  	_ =	shalt  }
0x81: {  	_ =	shalt  }
0x82: {  	_ =	shalt  }
0x83: {  	_ =	shalt  }
0x84: {  	_ =	shalt  }
0x85: {  	_ =	shalt  }
0x86: {  	_ =	shalt  }
0x87: {  	_ =	shalt  }
.Lfunc_end0:
.L_simem_size_0:
called_computation.1_lowered:
.L_overlay_start_0:
0x88: {  	s2 =	sld [smem:$0x3FD9]  }
0x89: {  	s3 =	sld [smem:$0x3FFE];
	_ =	sdelay $0x1  }
0x8a: {  	s1 =	srdreg.scid  }
0x8b: {  	s0 =	sand.u32 $0x1, s1  }
0x8c: {  	s17 =	sshll.u32 s0, $0xA;
	s2 =	sadd.s32 s3, s2  }
0x8d: {  	s2 =	sadd.s32 s2, s17  }
0x8e: {  	[smem:$0x3FBC] =	sst s2  }
0x8f: {  	_ = 	snop  }
0x90: {  	s2 =	sld [smem:$0x3FD0];
	(tm) =	ssettm $0x1  }
0x91: {  	s18 =	sld [smem:$0x3FFB];
	_ =	sdelay $0x3  }
0x92: {  	_ =	strace s18  }
0x93: {  	s3 =	sld [smem:$0x3FFC];
	_ =	sdelay $0x3  }
0x94: {  	_ =	strace s3  }
0x95: {  	s3 =	sld [smem:$0x3FFD];
	_ =	sdelay $0x3  }
0x96: {  	_ =	strace s3  }
0x97: {  	_ =	strace $0x8FFFFFFF  }
0x98: {  	s19 =	sld [smem:$0x3FDB];
	_ =	sdelay $0x1  }
0x99: {  	s4 =	simm.s32 $_scs_section_size  }
0x9a: {  	s5 =	simm.s32 $_size__tile_overlayer_lowered;
	s6 =	simm.s32 $_tile_overlayer_lowered  }
0x9b: {  	s22 =	simm.s32 $0x1BFF;
	s21 =	sshll.u32 s6, $0x1;
	s3 =	sadd.s32 s4, s19  }
0x9c: {  	s7 =	simm.s32 $0x0;
	s20 =	sshll.u32 s5, $0x1;
	s5 =	sadd.s32 s21, s3  }
0x9d: {  	[timem:s7], [sflag:s22] =	dma.local [hbm:s5], s20  }
0x9e: {  	_ =	swait.ge [sflag:s22], s20  }
0x9f: {  	s4 =	ssub.s32 $0x0, s20;
	[sflag:s22] =	ssyncset.done $0x0  }
0xa0: {  	[sflag:s22] =	ssyncadd.s32 s4;
	_ =	sdelay $0x1  }
0xa1: {  	s23 =	simm.s32 $0x1B8B  }
0xa2: {  	_ =	swait.ge [sflag:s23], $0x1  }
0xa3: {  	[sflag:s23] =	ssyncset.done $0x0  }
0xa4: {  	s25 =	simm.s32 $0x1B8E;
	s24 =	sld [smem:$0x3FFE];
	[sflag:s23] =	ssyncadd.s32 $0xFFFFFFFF  }
0xa5: {  	s26 =	simm.s32 $execute0_lowered;
	[smem:$0x3FD2] =	sst s25  }
0xa6: {  	s5 =	sshll.u32 s26, $0x1;
	_ =	strace $0x80000049;
	[dreg:$0x1] =	wrdreg $0xFFFFFFFF  }
0xa7: {  	s28 =	simm.s32 $_size_execute0_lowered;
	s3 =	sadd.s32 s3, s5;
	[dreg:$0x0] =	wrdreg $0x0  }
0xa8: {  	s5 =	sshll.u32 s28, $0x1;
	[dreg:$0x2] =	wrdreg s3  }
0xa9: {  	[dreg:$0x3] =	wrdreg s5  }
0xaa: {  	[dreg:$0x4] =	wrdreg $0xC0  }
0xab: {  	_ =	task [dreg:s7], $0x5FFFF  }
0xac: {  	[dreg:$0x1] =	wrdreg $0xFFFFFFFF  }
0xad: {  	[dreg:$0x0] =	wrdreg $0x60  }
0xae: {  	[dreg:$0x2] =	wrdreg s2  }
0xaf: {  	[dreg:$0x3] =	wrdreg s24  }
0xb0: {  	[dreg:$0x4] =	wrdreg $0x90000  }
0xb1: {  	[dreg:$0x5] =	wrdreg $0x9  }
0xb2: {  	_ =	task.clear_ibuf [dreg:s7], $0x6FFFF;
	_ =	strace $0x90000049  }
0xb3: {  	s29 =	simm.s32 $0x9;
	_ =	strace $0x8000004B  }
0xb4: {  	_ =	swait.ge [sflag:s29], $0x1  }
0xb5: {  	[sflag:s29] =	ssyncadd.s32 $0xFFFFFFFF  }
0xb6: {  	_ =	strace $0x9000004B  }
0xb7: {  	_ =	sfence  }
0xb8: {  	s30 =	sld [smem:$0x0];
	_ =	sdelay $0x2  }
0xb9: {  	s31 =	sshll.u32 s1, $0xD;
	s1 =	sshrl.u32 s1, $0x2  }
0xba: {  	s3 =	sand.u32 $0x4000, s31;
	s1 =	sadd.s32 s1, s30  }
0xbb: {  	s0 =	sor.u32 s3, s0;
	s1 =	sshll.u32 s1, $0x11  }
0xbc: {  	s0 =	sor.u32 s1, s0  }
0xbd: {  	s0 =	sadd.s32 $0x8F2B, s0  }
0xbe: {  	[sflag:s0] =	ssyncadd.remote.s32 $0x1  }
0xbf: {  	_ =	sfence.sel $0xFFFF  }
0xc0: {  	[dreg:$0x0] =	wrdreg $0xFFFFFFFF;
	(pc) =	sbr.abs _section_cstart, $3  }
0xc1: {  	[dreg:$0x1] =	wrdreg $0xFFFFFFFF  }
0xc2: {  	_ =	task.clear_ibuf [dreg:s7], $0x2FFFF;
	_ =	strace $0x9FFFFFFF  }
0xc3: {  	(tm) =	ssettm $0x7FFFFFFF  }
tec
execute0_lowered:
.L_overlay_start_1:
0x0: {  	(tag) =	ssettag $0x1  }
0x1: {  	s0 =	rddreg [dreg:$0x0]  }
0x2: {  	s1 =	srdreg.scid;
	s5 =	rddreg [dreg:$0x1]  }
0x3: {  	s3 =	rddreg [dreg:$0x2];
	s2 =	stileid.u32  }
0x4: {  	s4 =	simm.s32 $0x0;
	s17 =	simm.s32 $0x5000;
	s18 =	simm.s32 $0x2  }
0x5: {  	s19 =	simm.s32 $0x1;
	s20 =	simm.s32 $0x7D;
	s23 =	simm.s32 $0x0  }
0x6: {  	s8 =	sand.u32 $0x1, s1;
	s1 =	rddreg [dreg:$0x3];
	s10 =	smul.u32 $0x4E000, s2  }
0x7: {  	[smem:$0x7FF] =	sst s4;
	s14 =	sadd.s32 $0x20E00, s5;
	s12 =	smul.u32 $0x2700, s2  }
0x8: {  	p0 =	sne.s32 s2, $0xF;
	s21 =	sshll.u32 s2, $0x6;
	s6 =	sshll.u32 s8, $0x4  }
0x9: {  	_ =	strace $0x8000004A;
	s7 =	ssub.s32 $0x2, s8;
	s13 =	smul.u32 $0x27100, s8  }
0xa: {  	s16 =	smul.u32 $0x138800, s8;
	s21 =	sor.u32 $0x1C02, s21;
	s6 =	sor.u32 s2, s6  }
0xb: {  	s9 =	sshrl.u32 s7, $0x1;
	s31 =	sshrl.u32 s10, $0x2;
	s6 =	smul.u32 $0x500, s6  }
0xc: {  	s15 =	ssub.s32 s7, s9;
	s7 =	sadd.s32 s31, s3;
	s13 =	sadd.s32 s12, s13  }
0xd: {  	s16 =	sshrl.u32 s16, $0x3;
	s12 =	sadd.s32 $0x138000, s3;
	s8 =	sadd.s32 $0x3E80, s7  }
0xe: {  	s9 =	sadd.s32 $0x7D00, s7;
	s10 =	sadd.s32 $0xBB80, s7;
	s11 =	sadd.s32 $0xFA00, s7  }
0xf: {  	s13 =	sadd.s32 s14, s13;
	s14 =	sadd.s32 s14, s16;
	s15 =	smax.u32 s15, $0x1  }
0x10: {  	s16 =	simm.s32 $0x2800;
	s22 =	sshrl.u32 s7, $0x3;
	s6 =	sadd.s32 s6, s5  }
0x11: {  	v0 =	vimm.f32 $0.0e+00;
	s14 =	sadd.s32 $0x27000, s14;
	s5 =	sadd.s32 $0x16E00, s6;
	s6 =	sadd.s32 $0xCE00, s6  }
.LBB2_1:
0x12: {  	[tilespmem:s4], [sflag:$0x1] =	stream.linear.gather [hbm4b:s5+s4], $0x2800, $0x38;
	[tilespmem:$0x1C880] =	vst v63  }
0x13: {  	s24 =	sand.u32 $0xFE00, s4  }
0x14: {  	s25 =	sand.u32 $0x70, s4;
	s26 =	sshrl.u32 s24, $0x2  }
0x15: {  	[tilespmem:s16], [sflag:$0x1] =	stream.linear.gather [hbm4b:s6+s4], $0x2800, $0x38;
	[tilespmem:$0x1C880] =	vst v63  }
0x16: {  	s24 =	simm.s32 $0x40;
	s26 =	sor.u32 s25, s26;
	s25 =	simm.s32 $0x0  }
.LBB2_2:
0x17: {  	p1 =	sne.s32 s24, $0xF9C0  }
0x18: {  	[tilespmem:s26+$0x5000] =	vst v0;
	s25 =	sadd.s32 $0x10, s25;
	s26 =	smov.u32 s24;
	s24 =	sadd.s32 $0x40, s24  }
.Ltmp0:
0x19: {  	(pc) =	sbr.rel @p1 .LBB2_2-.Ltmp0, $4  }
0x1a: {  	_ = 	snop  }
0x1b: {  	s26 =	sand.u32 $0xFE00, s26  }
0x1c: {  	s28 =	sand.u32 $0x70, s25;
	s26 =	sshrl.u32 s26, $0x2  }
0x1d: {  	s26 =	sor.u32 s28, s26  }
0x1e: {  	[tilespmem:s26+$0x5000] =	vst v0  }
0x1f: {  	[spmem:s7] =	stream.linear.scatter [tilespmem:s17], [sflag:$0x2], $0x3E80, $0x38;
	[tilespmem:$0x1C880] =	vst v63  }
0x20: {  	_ =	swait.ge [sflag:s18], $0x3E80  }
0x21: {  	[sflag:s18] =	ssyncset.done $0x0  }
0x22: {  	[sflag:s18] =	ssyncadd.s32 $0xFFFFC180  }
0x23: {  	[spmem:s8] =	stream.linear.scatter [tilespmem:s17], [sflag:$0x2], $0x3E80, $0x38;
	[tilespmem:$0x1C880] =	vst v63  }
0x24: {  	_ =	swait.ge [sflag:s18], $0x3E80  }
0x25: {  	[sflag:s18] =	ssyncset.done $0x0  }
0x26: {  	[sflag:s18] =	ssyncadd.s32 $0xFFFFC180  }
0x27: {  	[spmem:s9] =	stream.linear.scatter [tilespmem:s17], [sflag:$0x2], $0x3E80, $0x38;
	[tilespmem:$0x1C880] =	vst v63  }
0x28: {  	_ =	swait.ge [sflag:s18], $0x3E80  }
0x29: {  	[sflag:s18] =	ssyncset.done $0x0  }
0x2a: {  	[sflag:s18] =	ssyncadd.s32 $0xFFFFC180  }
0x2b: {  	[spmem:s10] =	stream.linear.scatter [tilespmem:s17], [sflag:$0x2], $0x3E80, $0x38;
	[tilespmem:$0x1C880] =	vst v63  }
0x2c: {  	_ =	swait.ge [sflag:s18], $0x3E80  }
0x2d: {  	[sflag:s18] =	ssyncset.done $0x0  }
0x2e: {  	[sflag:s18] =	ssyncadd.s32 $0xFFFFC180  }
0x2f: {  	[spmem:s11] =	stream.linear.scatter [tilespmem:s17], [sflag:$0x2], $0x3E00, $0x38;
	[tilespmem:$0x1C880] =	vst v63  }
0x30: {  	_ =	swait.ge [sflag:s18], $0x3E00  }
0x31: {  	[sflag:s18] =	ssyncset.done $0x0  }
0x32: {  	s24 =	simm.s32 @!p0 $0x5000;
	[sflag:s18] =	ssyncadd.s32 $0xFFFFC200  }
0x33: {  	[spmem:s12] =	stream.linear.scatter @!p0 [tilespmem:s24], [sflag:$0x2], $0x800, $0x38;
	[tilespmem:$0x1C880] =	vst v63  }
0x34: {  	s24 =	simm.s32 @!p0 $0x2  }
0x35: {  	_ =	swait.ge @!p0 [sflag:s24], $0x800  }
0x36: {  	[sflag:s24] =	ssyncset.done @!p0 $0x0  }
0x37: {  	[sflag:s24] =	ssyncadd.s32 @!p0 $0xFFFFF800  }
0x38: {  	_ =	swait.ge [sflag:s19], $0x2800  }
0x39: {  	[sflag:s19] =	ssyncset.done $0x0  }
0x3a: {  	[sflag:s19] =	ssyncadd.s32 $0xFFFFD800  }
0x3b: {  	_ =	swait.ge [sflag:s19], $0x2800  }
0x3c: {  	[sflag:s19] =	ssyncset.done $0x0  }
0x3d: {  	[sflag:s19] =	ssyncadd.s32 $0xFFFFD800  }
0x3e: {  	s30 =	simm.s32 $0x0;
	[bflag:$0x0] =	sbarrier.arrive $0xFFFF  }
0x3f: {  	[tilespmem:s17], [sflag:$0x1] =	stream.indirect.gather [hbm4b:s0+s20], $0x80, s30, s20, $0xb8;
	[tilespmem:$0x1C880] =	vst v63  }
0x40: {  	_ =	swait.ge [sflag:s19], $0x3E80  }
0x41: {  	[sflag:s19] =	ssyncset.done $0x0  }
0x42: {  	s31 =	simm.s32 $0x2800;
	[sflag:s19] =	ssyncadd.s32 $0xFFFFC180  }
0x43: {  	[spmem:s3] =	stream.indirect.scatter.add.f32 [tilespmem:s17], [sflag:$0x2], $0x80, s31, s20, $0xb8;
	[tilespmem:$0x1C880] =	vst v63  }
0x44: {  	_ =	swait.ge [sflag:s18], $0x3E80  }
0x45: {  	s25 =	simm.s32 $0x400;
	s24 =	simm.s32 $0x200;
	[sflag:s18] =	ssyncset.done $0x0  }
.LBB2_4:
0x46: {  	s26 =	sshra.s32 s24, $0x2  }
0x47: {  	[sflag:s18] =	ssyncadd.s32 $0xFFFFC180;
	s24 =	smov.u32 s25;
	s28 =	sadd.s32 $0x200, s25  }
0x48: {  	[tilespmem:s17], [sflag:$0x1] =	stream.indirect.gather [hbm4b:s0+s20], $0x80, s26, s20, $0xb8;
	[tilespmem:$0x1C880] =	vst v63  }
0x49: {  	p1 =	sne.s32 s25, $0x9E00;
	_ =	swait.ge [sflag:s19], $0x3E80  }
.Ltmp1:
0x4a: {  	[sflag:s19] =	ssyncset.done $0x0;
	(pc) =	sbr.rel @p1 .LBB2_4-.Ltmp1, $4  }
0x4b: {  	s25 =	sadd.s32 $0x2800, s26;
	[sflag:s19] =	ssyncadd.s32 $0xFFFFC180  }
0x4c: {  	[spmem:s3] =	stream.indirect.scatter.add.f32 [tilespmem:s17], [sflag:$0x2], $0x80, s25, s20, $0xb8;
	[tilespmem:$0x1C880] =	vst v63  }
0x4d: {  	_ =	swait.ge [sflag:s18], $0x3E80  }
0x4e: {  	s25 =	smov.u32 s28;
	[sflag:s18] =	ssyncset.done $0x0  }
0x4f: {  	s24 =	sshra.s32 s24, $0x2;
	[sflag:s18] =	ssyncadd.s32 $0xFFFFC180  }
0x50: {  	[tilespmem:s17], [sflag:$0x1] =	stream.indirect.gather [hbm4b:s0+s20], $0x80, s24, s20, $0xb8;
	[tilespmem:$0x1C880] =	vst v63  }
0x51: {  	_ =	swait.ge [sflag:s19], $0x3E80  }
0x52: {  	[sflag:s19] =	ssyncset.done $0x0  }
0x53: {  	s24 =	sadd.s32 $0x2800, s24;
	[sflag:s19] =	ssyncadd.s32 $0xFFFFC180  }
0x54: {  	[spmem:s3] =	stream.indirect.scatter.add.f32 [tilespmem:s17], [sflag:$0x2], $0x80, s24, s20, $0xb8;
	[tilespmem:$0x1C880] =	vst v63  }
0x55: {  	_ =	swait.ge [sflag:s18], $0x3E80  }
0x56: {  	[sflag:s18] =	ssyncset.done $0x0  }
0x57: {  	[sflag:s18] =	ssyncadd.s32 $0xFFFFC180  }
0x58: {  	[bflag:$0x0] =	sbarrier.arrive $0xFFFF  }
0x59: {  	[hbm:s13], [sflag:s21] =	dma.local [spmem:s22], $0x2700  }
0x5a: {  	_ =	swait.ge [sflag:s18], $0x2700  }
0x5b: {  	s23 =	sadd.s32 $0x1, s23;
	[sflag:s18] =	ssyncset.done $0x0  }
0x5c: {  	p1 =	sne.s32 s23, s15;
	s24 =	sshrl.u32 @!p0 s12, $0x3;
	[sflag:s18] =	ssyncadd.s32 $0xFFFFD900  }
0x5d: {  	[hbm:s14], [sflag:s21] =	dma.local @!p0 [spmem:s24], $0x100  }
.Ltmp2:
0x5e: {  	_ = 	snop;
	(pc) =	sbr.rel @p1 .LBB2_1-.Ltmp2, $4  }
0x5f: {  	s24 =	simm.s32 @!p0 $0x2  }
0x60: {  	_ =	swait.ge @!p0 [sflag:s24], $0x100  }
0x61: {  	[sflag:s24] =	ssyncset.done @!p0 $0x0  }
0x62: {  	[sflag:s24] =	ssyncadd.s32 @!p0 $0xFFFFFF00  }
0x63: {  	_ =	sfence.sel $0x180000  }
0x64: {  	[bflag:$0x0] =	sbarrier.arrive $0xFFFF  }
0x65: {  	p0 =	sne.s32 s2, $0x0;
	_ =	strace $0x9000004A  }
0x66: {  	s0 =	sadd.s32 @!p0 $0x100000, s1;
	[bflag:$0x2] =	sbarrier.arrive $0xFFFF  }
0x67: {  	[sflag:s0] =	ssyncadd.tile.s32 @!p0 $0x1;
	_ =	shalt  }
.Lfunc_end2:
_tile_overlayer_lowered:
.L_overlay_start_2:
0x68: {  	(tag) =	ssettag $0x2  }
0x69: {  	s0 =	rddreg [dreg:$0x0];
	s2 =	stileid.u32  }
0x6a: {  	s1 =	rddreg [dreg:$0x1];
	p0 =	sne.s32 s2, $0x0  }
0x6b: {  	s3 =	rddreg [dreg:$0x2];
	[bflag:$0x3] =	sbarrier.arrive $0xFFFF;
	s2 =	simm.s32 @!p0 $0x1C02  }
0x6c: {  	[timem:s3], [sflag:s2] =	dma.local @!p0 [hbm:s0], s1  }
0x6d: {  	s0 =	simm.s32 @!p0 $0x2  }
0x6e: {  	_ =	swait.ge @!p0 [sflag:s0], s1  }
0x6f: {  	s1 =	ssub.s32 @!p0 $0x0, s1;
	[sflag:s0] =	ssyncset.done @!p0 $0x0  }
0x70: {  	[sflag:s0] =	ssyncadd.s32 @!p0 s1  }
0x71: {  	[bflag:$0x3] =	sbarrier.arrive $0xFFFF  }
0x72: {  	_ =	shalt  }

// kernel: kernel.16.cloned.1.call-start
scs
__scs_entry_jumppad:
0x0: {  	(pc) =	sbr.rel $0x88, $3  }
0x1: {  	(tag) =	ssettag $0x0;
	lr =	simm.s32 $0x1  }
0x2: {  	[smem:$0x3F95] =	sst lr;
	_ =	strace $0xD0000000  }
0x3: {  	_ = 	snop  }
0x4: {  	_ = 	snop  }
0x5: {  	_ = 	snop  }
0x6: {  	_ = 	snop  }
0x7: {  	_ = 	snop  }
__scs_overlays_trampoline_lowered:
0x8: {  	[smem:$0x3FA4] =	sst s0  }
0x9: {  	[smem:$0x3FA5] =	sst s1  }
0xa: {  	[smem:$0x3FA6] =	sst s2  }
0xb: {  	[smem:$0x3FA7] =	sst s3  }
0xc: {  	[smem:$0x3FA8] =	sst s4  }
0xd: {  	[smem:$0x3FA9] =	sst s5  }
0xe: {  	[smem:$0x3FAA] =	sst s6  }
0xf: {  	[smem:$0x3FAB] =	sst s7  }
0x10: {  	[smem:$0x3FAC] =	sst s8  }
0x11: {  	[smem:$0x3FAD] =	sst s9;
	s0 =	simm.s32 @!p0 $0x0  }
0x12: {  	s1 =	sld [smem:$0x3F93];
	s0 =	simm.s32 @p0 $0x1  }
0x13: {  	[smem:$0x3FAE] =	sst s0;
	s0 =	simm.s32 @!p1 $0x0  }
0x14: {  	s2 =	sld [smem:$0x3F92];
	s0 =	simm.s32 @p1 $0x1  }
0x15: {  	[smem:$0x3FAF] =	sst s0;
	s0 =	simm.s32 @!p2 $0x0  }
0x16: {  	s3 =	sld [smem:$0x3FDB];
	s0 =	simm.s32 @p2 $0x1  }
0x17: {  	s4 =	simm.s32 $0x1BF5;
	[smem:$0x3FB1] =	sst s0  }
0x18: {  	s0 =	sld [smem:$0x3F94];
	_ =	swait.ge [sflag:s4], $0x0  }
0x19: {  	s7 =	sld [smem:$0x3F95]  }
0x1a: {  	s8 =	sadd.s32 $0xFFFFE003, lr  }
0x1b: {  	s9 =	sadd.s32 $0xFFFFFEF7, lr;
	s5 =	simm.s32 $0xFFFFFFFF;
	p2 =	slt.u32 s8, $0xFFFFF086  }
0x1c: {  	p1 =	slt.u32 s9, $0xF7A;
	s5 =	simm.s32 @!p2 $0x0  }
0x1d: {  	s5 =	simm.s32 @p1 $0x1;
	p0 =	seq.s32 s7, s2  }
0x1e: {  	s7 =	smul.u32 @!p0 $0xF7A, s2;
	p2 =	seq.s32 @!p0 s5, $0x0  }
0x1f: {  	s9 =	smul.u32 $0xF7A, s1;
	s8 =	simm.s32 @!p0 $0x1BF5;
	p2 =	por !p2, p0  }
0x20: {  	[sflag:s8] =	ssyncset.s32 @!p0 $0xFFFFF086;
	s6 =	sadd.s32 @!p0 s3, s7;
	s7 =	simm.s32 @!p0 $0x108  }
0x21: {  	s3 =	sadd.s32 s3, s9;
	s6 =	sadd.s32 @!p0 $0x88, s6;
	s7 =	simm.s32 @p2 $0x1082  }
0x22: {  	[simem:s7], [sflag:s8] =	dma.local @!p0 [hbm:s6], $0xF7A  }
0x23: {  	s9 =	sor.u32 $0xD0000000, s2;
	s6 =	simm.s32 $0x108;
	_ =	swait.ge @!p0 [sflag:s8], $0x0  }
0x24: {  	s3 =	sadd.s32 $0x88, s3;
	s6 =	simm.s32 @!p1 $0x1082;
	[sflag:s4] =	ssyncset.s32 $0xFFFFF086  }
0x25: {  	[simem:s6], [sflag:s4] =	dma.local [hbm:s3], $0xF7A  }
0x26: {  	[smem:$0x3F95] =	sst s1;
	(tag) =	ssettag s2;
	_ =	strace s9  }
0x27: {  	s1 =	sld [smem:$0x3FA5]  }
0x28: {  	s2 =	sld [smem:$0x3FA6]  }
0x29: {  	s4 =	sld [smem:$0x3FA8]  }
0x2a: {  	p0 =	seq.s32 s5, $0x0;
	s5 =	sld [smem:$0x3FA9]  }
0x2b: {  	s6 =	sld [smem:$0x3FAA]  }
0x2c: {  	s7 =	sld [smem:$0x3FAB]  }
0x2d: {  	s3 =	simm.s32 $0x108;
	s8 =	sld [smem:$0x3FAC]  }
0x2e: {  	s3 =	simm.s32 @!p0 $0x1082;
	s9 =	sld [smem:$0x3FAD]  }
0x2f: {  	lr =	sadd.s32 s0, s3;
	s0 =	sld [smem:$0x3FA4]  }
0x30: {  	s3 =	sld [smem:$0x3FA7]  }
0x31: {  	[smem:$0x3FB0] =	sst s10  }
0x32: {  	s10 =	sld [smem:$0x3FAE];
	_ =	sdelay $0x3  }
0x33: {  	p0 =	seq.s32 s10, $0x1;
	s10 =	sld [smem:$0x3FB0];
	_ =	sdelay $0x3  }
0x34: {  	[smem:$0x3FB0] =	sst s10  }
0x35: {  	s10 =	sld [smem:$0x3FAF];
	_ =	sdelay $0x3  }
0x36: {  	p1 =	seq.s32 s10, $0x1;
	s10 =	sld [smem:$0x3FB0];
	_ =	sdelay $0x3  }
0x37: {  	[smem:$0x3FB0] =	sst s10  }
0x38: {  	s10 =	sld [smem:$0x3FB1]  }
0x39: {  	_ = 	snop;
	(pc) =	sbr.ind lr, $3  }
0x3a: {  	_ = 	snop  }
0x3b: {  	_ = 	snop  }
0x3c: {  	p2 =	seq.s32 s10, $0x1;
	s10 =	sld [smem:$0x3FB0]  }
0x3d: {  	_ =	shalt  }
0x3e: {  	_ =	shalt  }
0x3f: {  	_ =	shalt  }
0x40: {  	_ =	shalt  }
0x41: {  	_ =	shalt  }
0x42: {  	_ =	shalt  }
0x43: {  	_ =	shalt  }
0x44: {  	_ =	shalt  }
0x45: {  	_ =	shalt  }
0x46: {  	_ =	shalt  }
0x47: {  	_ =	shalt  }
0x48: {  	_ =	shalt  }
0x49: {  	_ =	shalt  }
0x4a: {  	_ =	shalt  }
0x4b: {  	_ =	shalt  }
0x4c: {  	_ =	shalt  }
0x4d: {  	_ =	shalt  }
0x4e: {  	_ =	shalt  }
0x4f: {  	_ =	shalt  }
0x50: {  	_ =	shalt  }
0x51: {  	_ =	shalt  }
0x52: {  	_ =	shalt  }
0x53: {  	_ =	shalt  }
0x54: {  	_ =	shalt  }
0x55: {  	_ =	shalt  }
0x56: {  	_ =	shalt  }
0x57: {  	_ =	shalt  }
0x58: {  	_ =	shalt  }
0x59: {  	_ =	shalt  }
0x5a: {  	_ =	shalt  }
0x5b: {  	_ =	shalt  }
0x5c: {  	_ =	shalt  }
0x5d: {  	_ =	shalt  }
0x5e: {  	_ =	shalt  }
0x5f: {  	_ =	shalt  }
0x60: {  	_ =	shalt  }
0x61: {  	_ =	shalt  }
0x62: {  	_ =	shalt  }
0x63: {  	_ =	shalt  }
0x64: {  	_ =	shalt  }
0x65: {  	_ =	shalt  }
0x66: {  	_ =	shalt  }
0x67: {  	_ =	shalt  }
0x68: {  	_ =	shalt  }
0x69: {  	_ =	shalt  }
0x6a: {  	_ =	shalt  }
0x6b: {  	_ =	shalt  }
0x6c: {  	_ =	shalt  }
0x6d: {  	_ =	shalt  }
0x6e: {  	_ =	shalt  }
0x6f: {  	_ =	shalt  }
0x70: {  	_ =	shalt  }
0x71: {  	_ =	shalt  }
0x72: {  	_ =	shalt  }
0x73: {  	_ =	shalt  }
0x74: {  	_ =	shalt  }
0x75: {  	_ =	shalt  }
0x76: {  	_ =	shalt  }
0x77: {  	_ =	shalt  }
0x78: {  	_ =	shalt  }
0x79: {  	_ =	shalt  }
0x7a: {  	_ =	shalt  }
0x7b: {  	_ =	shalt  }
0x7c: {  	_ =	shalt  }
0x7d: {  	_ =	shalt  }
0x7e: {  	_ =	shalt  }
0x7f: {  	_ =	shalt  }
0x80: {  	_ =	shalt  }
0x81: {  	_ =	shalt  }
0x82: {  	_ =	shalt  }
0x83: {  	_ =	shalt  }
0x84: {  	_ =	shalt  }
0x85: {  	_ =	shalt  }
0x86: {  	_ =	shalt  }
0x87: {  	_ =	shalt  }
.Lfunc_end0:
.L_simem_size_0:
called_computation.2_lowered:
.L_overlay_start_0:
0x88: {  	s2 =	sld [smem:$0x3FD9]  }
0x89: {  	s3 =	sld [smem:$0x3FFE];
	_ =	sdelay $0x1  }
0x8a: {  	s1 =	srdreg.scid  }
0x8b: {  	s0 =	sand.u32 $0x1, s1  }
0x8c: {  	s17 =	sshll.u32 s0, $0xA;
	s2 =	sadd.s32 s3, s2  }
0x8d: {  	s2 =	sadd.s32 s2, s17  }
0x8e: {  	[smem:$0x3FBC] =	sst s2  }
0x8f: {  	_ = 	snop  }
0x90: {  	s2 =	sld [smem:$0x3FD0];
	(tm) =	ssettm $0x1  }
0x91: {  	s18 =	sld [smem:$0x3FFB];
	_ =	sdelay $0x3  }
0x92: {  	_ =	strace s18  }
0x93: {  	s3 =	sld [smem:$0x3FFC];
	_ =	sdelay $0x3  }
0x94: {  	_ =	strace s3  }
0x95: {  	s3 =	sld [smem:$0x3FFD];
	_ =	sdelay $0x3  }
0x96: {  	_ =	strace s3  }
0x97: {  	_ =	strace $0x8FFFFFFF  }
0x98: {  	s19 =	sld [smem:$0x3FDB];
	_ =	sdelay $0x1  }
0x99: {  	s4 =	simm.s32 $_scs_section_size  }
0x9a: {  	s5 =	simm.s32 $_size__tile_overlayer_lowered;
	s6 =	simm.s32 $_tile_overlayer_lowered  }
0x9b: {  	s22 =	simm.s32 $0x1BFF;
	s21 =	sshll.u32 s6, $0x1;
	s3 =	sadd.s32 s4, s19  }
0x9c: {  	s7 =	simm.s32 $0x0;
	s20 =	sshll.u32 s5, $0x1;
	s5 =	sadd.s32 s21, s3  }
0x9d: {  	[timem:s7], [sflag:s22] =	dma.local [hbm:s5], s20  }
0x9e: {  	_ =	swait.ge [sflag:s22], s20  }
0x9f: {  	s4 =	ssub.s32 $0x0, s20;
	[sflag:s22] =	ssyncset.done $0x0  }
0xa0: {  	[sflag:s22] =	ssyncadd.s32 s4;
	_ =	sdelay $0x1  }
0xa1: {  	s23 =	simm.s32 $0x1B8B  }
0xa2: {  	_ =	swait.ge [sflag:s23], $0x1  }
0xa3: {  	[sflag:s23] =	ssyncset.done $0x0  }
0xa4: {  	s25 =	simm.s32 $0x1B8E;
	s24 =	sld [smem:$0x3FFE];
	[sflag:s23] =	ssyncadd.s32 $0xFFFFFFFF  }
0xa5: {  	s26 =	simm.s32 $execute0_lowered;
	[smem:$0x3FD2] =	sst s25  }
0xa6: {  	s5 =	sshll.u32 s26, $0x1;
	_ =	strace $0x8000004C;
	[dreg:$0x1] =	wrdreg $0xFFFFFFFF  }
0xa7: {  	s28 =	simm.s32 $_size_execute0_lowered;
	s3 =	sadd.s32 s3, s5;
	[dreg:$0x0] =	wrdreg $0x0  }
0xa8: {  	s5 =	sshll.u32 s28, $0x1;
	[dreg:$0x2] =	wrdreg s3  }
0xa9: {  	[dreg:$0x3] =	wrdreg s5  }
0xaa: {  	[dreg:$0x4] =	wrdreg $0xC0  }
0xab: {  	_ =	task [dreg:s7], $0x5FFFF  }
0xac: {  	[dreg:$0x1] =	wrdreg $0xFFFFFFFF  }
0xad: {  	[dreg:$0x0] =	wrdreg $0x60  }
0xae: {  	[dreg:$0x2] =	wrdreg s2  }
0xaf: {  	[dreg:$0x3] =	wrdreg s24  }
0xb0: {  	[dreg:$0x4] =	wrdreg $0x90000  }
0xb1: {  	[dreg:$0x5] =	wrdreg $0x9  }
0xb2: {  	_ =	task.clear_ibuf [dreg:s7], $0x6FFFF;
	_ =	strace $0x9000004C  }
0xb3: {  	s29 =	simm.s32 $0x9;
	_ =	strace $0x8000004E  }
0xb4: {  	_ =	swait.ge [sflag:s29], $0x1  }
0xb5: {  	[sflag:s29] =	ssyncadd.s32 $0xFFFFFFFF  }
0xb6: {  	_ =	strace $0x9000004E  }
0xb7: {  	_ =	sfence  }
0xb8: {  	s30 =	sld [smem:$0x0];
	_ =	sdelay $0x2  }
0xb9: {  	s31 =	sshll.u32 s1, $0xD;
	s1 =	sshrl.u32 s1, $0x2  }
0xba: {  	s3 =	sand.u32 $0x4000, s31;
	s1 =	sadd.s32 s1, s30  }
0xbb: {  	s0 =	sor.u32 s3, s0;
	s1 =	sshll.u32 s1, $0x11  }
0xbc: {  	s0 =	sor.u32 s1, s0  }
0xbd: {  	s0 =	sadd.s32 $0x8F2B, s0  }
0xbe: {  	[sflag:s0] =	ssyncadd.remote.s32 $0x1  }
0xbf: {  	_ =	sfence.sel $0xFFFF  }
0xc0: {  	[dreg:$0x0] =	wrdreg $0xFFFFFFFF;
	(pc) =	sbr.abs _section_cstart, $3  }
0xc1: {  	[dreg:$0x1] =	wrdreg $0xFFFFFFFF  }
0xc2: {  	_ =	task.clear_ibuf [dreg:s7], $0x2FFFF;
	_ =	strace $0x9FFFFFFF  }
0xc3: {  	(tm) =	ssettm $0x7FFFFFFF  }
tec
execute0_lowered:
.L_overlay_start_1:
0x0: {  	(tag) =	ssettag $0x1  }
0x1: {  	s0 =	rddreg [dreg:$0x0]  }
0x2: {  	s1 =	srdreg.scid;
	s5 =	rddreg [dreg:$0x1]  }
0x3: {  	s3 =	rddreg [dreg:$0x2];
	s2 =	stileid.u32  }
0x4: {  	s4 =	simm.s32 $0x0;
	s17 =	simm.s32 $0x5000;
	s18 =	simm.s32 $0x2  }
0x5: {  	s19 =	simm.s32 $0x1;
	s20 =	simm.s32 $0x7D;
	s23 =	simm.s32 $0x0  }
0x6: {  	s8 =	sand.u32 $0x1, s1;
	s1 =	rddreg [dreg:$0x3];
	s10 =	smul.u32 $0x4E000, s2  }
0x7: {  	[smem:$0x7FF] =	sst s4;
	s14 =	sadd.s32 $0x20E00, s5;
	s12 =	smul.u32 $0x2700, s2  }
0x8: {  	p0 =	sne.s32 s2, $0xF;
	s21 =	sshll.u32 s2, $0x6;
	s6 =	sshll.u32 s8, $0x4  }
0x9: {  	_ =	strace $0x8000004D;
	s7 =	ssub.s32 $0x2, s8;
	s13 =	smul.u32 $0x27100, s8  }
0xa: {  	s16 =	smul.u32 $0x138800, s8;
	s21 =	sor.u32 $0x1C02, s21;
	s6 =	sor.u32 s2, s6  }
0xb: {  	s9 =	sshrl.u32 s7, $0x1;
	s31 =	sshrl.u32 s10, $0x2;
	s6 =	smul.u32 $0x500, s6  }
0xc: {  	s15 =	ssub.s32 s7, s9;
	s7 =	sadd.s32 s31, s3;
	s13 =	sadd.s32 s12, s13  }
0xd: {  	s16 =	sshrl.u32 s16, $0x3;
	s12 =	sadd.s32 $0x138000, s3;
	s8 =	sadd.s32 $0x3E80, s7  }
0xe: {  	s9 =	sadd.s32 $0x7D00, s7;
	s10 =	sadd.s32 $0xBB80, s7;
	s11 =	sadd.s32 $0xFA00, s7  }
0xf: {  	s13 =	sadd.s32 s14, s13;
	s14 =	sadd.s32 s14, s16;
	s15 =	smax.u32 s15, $0x1  }
0x10: {  	s16 =	simm.s32 $0x2800;
	s22 =	sshrl.u32 s7, $0x3;
	s6 =	sadd.s32 s6, s5  }
0x11: {  	v0 =	vimm.f32 $0.0e+00;
	s14 =	sadd.s32 $0x27000, s14;
	s5 =	sadd.s32 $0x16E00, s6;
	s6 =	sadd.s32 $0xCE00, s6  }
.LBB2_1:
0x12: {  	[tilespmem:s4], [sflag:$0x1] =	stream.linear.gather [hbm4b:s5+s4], $0x2800, $0x38;
	[tilespmem:$0x1C880] =	vst v63  }
0x13: {  	s24 =	sand.u32 $0xFE00, s4  }
0x14: {  	s25 =	sand.u32 $0x70, s4;
	s26 =	sshrl.u32 s24, $0x2  }
0x15: {  	[tilespmem:s16], [sflag:$0x1] =	stream.linear.gather [hbm4b:s6+s4], $0x2800, $0x38;
	[tilespmem:$0x1C880] =	vst v63  }
0x16: {  	s24 =	simm.s32 $0x40;
	s26 =	sor.u32 s25, s26;
	s25 =	simm.s32 $0x0  }
.LBB2_2:
0x17: {  	p1 =	sne.s32 s24, $0xF9C0  }
0x18: {  	[tilespmem:s26+$0x5000] =	vst v0;
	s25 =	sadd.s32 $0x10, s25;
	s26 =	smov.u32 s24;
	s24 =	sadd.s32 $0x40, s24  }
.Ltmp0:
0x19: {  	(pc) =	sbr.rel @p1 .LBB2_2-.Ltmp0, $4  }
0x1a: {  	_ = 	snop  }
0x1b: {  	s26 =	sand.u32 $0xFE00, s26  }
0x1c: {  	s28 =	sand.u32 $0x70, s25;
	s26 =	sshrl.u32 s26, $0x2  }
0x1d: {  	s26 =	sor.u32 s28, s26  }
0x1e: {  	[tilespmem:s26+$0x5000] =	vst v0  }
0x1f: {  	[spmem:s7] =	stream.linear.scatter [tilespmem:s17], [sflag:$0x2], $0x3E80, $0x38;
	[tilespmem:$0x1C880] =	vst v63  }
0x20: {  	_ =	swait.ge [sflag:s18], $0x3E80  }
0x21: {  	[sflag:s18] =	ssyncset.done $0x0  }
0x22: {  	[sflag:s18] =	ssyncadd.s32 $0xFFFFC180  }
0x23: {  	[spmem:s8] =	stream.linear.scatter [tilespmem:s17], [sflag:$0x2], $0x3E80, $0x38;
	[tilespmem:$0x1C880] =	vst v63  }
0x24: {  	_ =	swait.ge [sflag:s18], $0x3E80  }
0x25: {  	[sflag:s18] =	ssyncset.done $0x0  }
0x26: {  	[sflag:s18] =	ssyncadd.s32 $0xFFFFC180  }
0x27: {  	[spmem:s9] =	stream.linear.scatter [tilespmem:s17], [sflag:$0x2], $0x3E80, $0x38;
	[tilespmem:$0x1C880] =	vst v63  }
0x28: {  	_ =	swait.ge [sflag:s18], $0x3E80  }
0x29: {  	[sflag:s18] =	ssyncset.done $0x0  }
0x2a: {  	[sflag:s18] =	ssyncadd.s32 $0xFFFFC180  }
0x2b: {  	[spmem:s10] =	stream.linear.scatter [tilespmem:s17], [sflag:$0x2], $0x3E80, $0x38;
	[tilespmem:$0x1C880] =	vst v63  }
0x2c: {  	_ =	swait.ge [sflag:s18], $0x3E80  }
0x2d: {  	[sflag:s18] =	ssyncset.done $0x0  }
0x2e: {  	[sflag:s18] =	ssyncadd.s32 $0xFFFFC180  }
0x2f: {  	[spmem:s11] =	stream.linear.scatter [tilespmem:s17], [sflag:$0x2], $0x3E00, $0x38;
	[tilespmem:$0x1C880] =	vst v63  }
0x30: {  	_ =	swait.ge [sflag:s18], $0x3E00  }
0x31: {  	[sflag:s18] =	ssyncset.done $0x0  }
0x32: {  	s24 =	simm.s32 @!p0 $0x5000;
	[sflag:s18] =	ssyncadd.s32 $0xFFFFC200  }
0x33: {  	[spmem:s12] =	stream.linear.scatter @!p0 [tilespmem:s24], [sflag:$0x2], $0x800, $0x38;
	[tilespmem:$0x1C880] =	vst v63  }
0x34: {  	s24 =	simm.s32 @!p0 $0x2  }
0x35: {  	_ =	swait.ge @!p0 [sflag:s24], $0x800  }
0x36: {  	[sflag:s24] =	ssyncset.done @!p0 $0x0  }
0x37: {  	[sflag:s24] =	ssyncadd.s32 @!p0 $0xFFFFF800  }
0x38: {  	_ =	swait.ge [sflag:s19], $0x2800  }
0x39: {  	[sflag:s19] =	ssyncset.done $0x0  }
0x3a: {  	[sflag:s19] =	ssyncadd.s32 $0xFFFFD800  }
0x3b: {  	_ =	swait.ge [sflag:s19], $0x2800  }
0x3c: {  	[sflag:s19] =	ssyncset.done $0x0  }
0x3d: {  	[sflag:s19] =	ssyncadd.s32 $0xFFFFD800  }
0x3e: {  	s30 =	simm.s32 $0x0;
	[bflag:$0x0] =	sbarrier.arrive $0xFFFF  }
0x3f: {  	[tilespmem:s17], [sflag:$0x1] =	stream.indirect.gather [hbm4b:s0+s20], $0x80, s30, s20, $0xb8;
	[tilespmem:$0x1C880] =	vst v63  }
0x40: {  	_ =	swait.ge [sflag:s19], $0x3E80  }
0x41: {  	[sflag:s19] =	ssyncset.done $0x0  }
0x42: {  	s31 =	simm.s32 $0x2800;
	[sflag:s19] =	ssyncadd.s32 $0xFFFFC180  }
0x43: {  	[spmem:s3] =	stream.indirect.scatter.add.f32 [tilespmem:s17], [sflag:$0x2], $0x80, s31, s20, $0xb8;
	[tilespmem:$0x1C880] =	vst v63  }
0x44: {  	_ =	swait.ge [sflag:s18], $0x3E80  }
0x45: {  	s25 =	simm.s32 $0x400;
	s24 =	simm.s32 $0x200;
	[sflag:s18] =	ssyncset.done $0x0  }
.LBB2_4:
0x46: {  	s26 =	sshra.s32 s24, $0x2  }
0x47: {  	[sflag:s18] =	ssyncadd.s32 $0xFFFFC180;
	s24 =	smov.u32 s25;
	s28 =	sadd.s32 $0x200, s25  }
0x48: {  	[tilespmem:s17], [sflag:$0x1] =	stream.indirect.gather [hbm4b:s0+s20], $0x80, s26, s20, $0xb8;
	[tilespmem:$0x1C880] =	vst v63  }
0x49: {  	p1 =	sne.s32 s25, $0x9E00;
	_ =	swait.ge [sflag:s19], $0x3E80  }
.Ltmp1:
0x4a: {  	[sflag:s19] =	ssyncset.done $0x0;
	(pc) =	sbr.rel @p1 .LBB2_4-.Ltmp1, $4  }
0x4b: {  	s25 =	sadd.s32 $0x2800, s26;
	[sflag:s19] =	ssyncadd.s32 $0xFFFFC180  }
0x4c: {  	[spmem:s3] =	stream.indirect.scatter.add.f32 [tilespmem:s17], [sflag:$0x2], $0x80, s25, s20, $0xb8;
	[tilespmem:$0x1C880] =	vst v63  }
0x4d: {  	_ =	swait.ge [sflag:s18], $0x3E80  }
0x4e: {  	s25 =	smov.u32 s28;
	[sflag:s18] =	ssyncset.done $0x0  }
0x4f: {  	s24 =	sshra.s32 s24, $0x2;
	[sflag:s18] =	ssyncadd.s32 $0xFFFFC180  }
0x50: {  	[tilespmem:s17], [sflag:$0x1] =	stream.indirect.gather [hbm4b:s0+s20], $0x80, s24, s20, $0xb8;
	[tilespmem:$0x1C880] =	vst v63  }
0x51: {  	_ =	swait.ge [sflag:s19], $0x3E80  }
0x52: {  	[sflag:s19] =	ssyncset.done $0x0  }
0x53: {  	s24 =	sadd.s32 $0x2800, s24;
	[sflag:s19] =	ssyncadd.s32 $0xFFFFC180  }
0x54: {  	[spmem:s3] =	stream.indirect.scatter.add.f32 [tilespmem:s17], [sflag:$0x2], $0x80, s24, s20, $0xb8;
	[tilespmem:$0x1C880] =	vst v63  }
0x55: {  	_ =	swait.ge [sflag:s18], $0x3E80  }
0x56: {  	[sflag:s18] =	ssyncset.done $0x0  }
0x57: {  	[sflag:s18] =	ssyncadd.s32 $0xFFFFC180  }
0x58: {  	[bflag:$0x0] =	sbarrier.arrive $0xFFFF  }
0x59: {  	[hbm:s13], [sflag:s21] =	dma.local [spmem:s22], $0x2700  }
0x5a: {  	_ =	swait.ge [sflag:s18], $0x2700  }
0x5b: {  	s23 =	sadd.s32 $0x1, s23;
	[sflag:s18] =	ssyncset.done $0x0  }
0x5c: {  	p1 =	sne.s32 s23, s15;
	s24 =	sshrl.u32 @!p0 s12, $0x3;
	[sflag:s18] =	ssyncadd.s32 $0xFFFFD900  }
0x5d: {  	[hbm:s14], [sflag:s21] =	dma.local @!p0 [spmem:s24], $0x100  }
.Ltmp2:
0x5e: {  	_ = 	snop;
	(pc) =	sbr.rel @p1 .LBB2_1-.Ltmp2, $4  }
0x5f: {  	s24 =	simm.s32 @!p0 $0x2  }
0x60: {  	_ =	swait.ge @!p0 [sflag:s24], $0x100  }
0x61: {  	[sflag:s24] =	ssyncset.done @!p0 $0x0  }
0x62: {  	[sflag:s24] =	ssyncadd.s32 @!p0 $0xFFFFFF00  }
0x63: {  	_ =	sfence.sel $0x180000  }
0x64: {  	[bflag:$0x0] =	sbarrier.arrive $0xFFFF  }
0x65: {  	p0 =	sne.s32 s2, $0x0;
	_ =	strace $0x9000004D  }
0x66: {  	s0 =	sadd.s32 @!p0 $0x100000, s1;
	[bflag:$0x2] =	sbarrier.arrive $0xFFFF  }
0x67: {  	[sflag:s0] =	ssyncadd.tile.s32 @!p0 $0x1;
	_ =	shalt  }
.Lfunc_end2:
_tile_overlayer_lowered:
.L_overlay_start_2:
0x68: {  	(tag) =	ssettag $0x2  }
0x69: {  	s0 =	rddreg [dreg:$0x0];
	s2 =	stileid.u32  }
0x6a: {  	s1 =	rddreg [dreg:$0x1];
	p0 =	sne.s32 s2, $0x0  }
0x6b: {  	s3 =	rddreg [dreg:$0x2];
	[bflag:$0x3] =	sbarrier.arrive $0xFFFF;
	s2 =	simm.s32 @!p0 $0x1C02  }
0x6c: {  	[timem:s3], [sflag:s2] =	dma.local @!p0 [hbm:s0], s1  }
0x6d: {  	s0 =	simm.s32 @!p0 $0x2  }
0x6e: {  	_ =	swait.ge @!p0 [sflag:s0], s1  }
0x6f: {  	s1 =	ssub.s32 @!p0 $0x0, s1;
	[sflag:s0] =	ssyncset.done @!p0 $0x0  }
0x70: {  	[sflag:s0] =	ssyncadd.s32 @!p0 s1  }
0x71: {  	[bflag:$0x3] =	sbarrier.arrive $0xFFFF  }
0x72: {  	_ =	shalt  }

</sc_bundles>
